<compile_context>
chip_gen: v7x
topology: tpu7x:2x2x1
jax: 0.10.2.dev20260603
libtpu: 0.0.44.dev20260713+nightly
codegen_flags: <defaults>
</compile_context>

<pallas_src>
import functools

import jax
import jax.numpy as jnp
import numpy as np
from jax import lax
from jax.experimental import pallas as pl
from jax.experimental.pallas import tpu as pltpu
from jax.experimental.pallas import tpu_sc as plsc

_NUM = 256
_BIG = np.float32(3e38)
_BIGI = np.int32(1 << 30)

_IDX = np.array([
    [3011, 423, 2735, 3924, 2718, 2661, 541, 3529, 1161, 3286, 661, 1055, 3824, 567, 3294, 3595, 6, 2342, 2023, 646, 1128, 1203, 2437, 2086, 2011, 2043, 3034, 4080, 2765, 2090, 2388, 4049, 2752, 2186, 621, 2631, 1732, 3956, 2989, 42, 1022, 620, 3522, 894, 2406, 1563, 3023, 2477, 2218, 3077, 3216, 1509, 682, 1881, 175, 3915, 793, 3838, 3913, 1769, 1095, 3361, 2221, 2199, 1241, 3830, 776, 3376, 566, 436, 1010, 2919, 907, 1082, 2075, 1214, 125, 630, 3439, 2900, 3591, 3774, 3534, 1292, 3521, 963, 3171, 2203, 1674, 572, 1916, 783, 744, 746, 3719, 2440, 2344, 2254, 1986, 2785, 3132, 602, 441, 1836, 3104, 2787, 1594, 142, 3573, 3517, 462, 809, 3335, 3235, 2191, 1141, 1596, 503, 352, 3412, 1211, 611, 1536, 1818, 2171, 3804, 3895, 3398, 915, 337, 636, 1581, 3923, 1496, 321, 1046, 173, 2165, 2444, 3298, 3045, 3968, 2749, 474, 3951, 2881, 1457, 3772, 2630, 650, 985, 870, 760, 747, 862, 1430, 3450, 1781, 838, 547, 2470, 1037, 2601, 1718, 4048, 3407, 3418, 1265, 2616, 3641, 2724, 1531, 221, 1109, 4092, 2689, 4026, 1727, 75, 2493, 3644, 3572, 1072, 2278, 2842, 1351, 2763, 3999, 2851, 3627, 628, 528, 3969, 2560, 2346, 2463, 3074, 555, 2976, 2537, 3381, 189, 2623, 1097, 1429, 1166, 703, 676, 2450, 735, 3050, 143, 3700, 3316, 2356, 3102, 1556, 952, 2834, 210, 107, 3339, 3851, 2833, 514, 2359, 1898, 3089, 1511, 340, 1248, 1327, 1057, 1641, 2136, 3057, 2662, 3305, 644, 3756, 3671, 2369, 2831, 1347, 3550, 889, 2292, 2898, 3329, 233, 64, 380, 452, 3900, 2196, 2142],
    [3278, 305, 2288, 2011, 1607, 2878, 3855, 1034, 448, 1576, 1949, 1639, 2815, 854, 3399, 2587, 824, 842, 1103, 1884, 3859, 2162, 4079, 3345, 3412, 1074, 3329, 147, 3847, 1520, 1815, 592, 3493, 237, 826, 311, 3050, 1088, 740, 450, 295, 3812, 2529, 3435, 3693, 887, 633, 3965, 166, 1832, 2434, 3829, 184, 18, 3489, 2349, 3631, 360, 1722, 2517, 639, 671, 2336, 4000, 3853, 410, 1008, 3512, 1744, 4007, 1188, 3872, 2503, 3587, 3236, 1896, 3270, 2078, 1045, 2151, 821, 2025, 839, 1888, 3166, 1003, 2001, 183, 3005, 2059, 3719, 3441, 2421, 3112, 3472, 3995, 2058, 357, 1840, 1407, 1353, 4088, 2451, 2729, 1561, 1136, 1254, 1971, 1421, 3126, 1058, 896, 1901, 1924, 1851, 1364, 276, 2388, 38, 1068, 977, 219, 2040, 1038, 1685, 783, 40, 548, 2820, 3318, 882, 1216, 3373, 4055, 3672, 718, 773, 2350, 3606, 252, 376, 3700, 3305, 2193, 352, 3871, 2562, 4058, 2739, 938, 1295, 729, 2805, 3703, 1301, 3044, 1247, 721, 333, 68, 3820, 3417, 3108, 2768, 1077, 521, 762, 2886, 1336, 1919, 2841, 1190, 1312, 4042, 2274, 1344, 2801, 3425, 3092, 1242, 4071, 2983, 779, 3529, 3943, 1480, 2854, 3699, 3919, 1398, 2882, 3433, 3522, 2571, 1800, 1406, 261, 1893, 4092, 635, 2885, 2290, 1512, 2365, 722, 1318, 440, 200, 2652, 3964, 3982, 406, 2174, 402, 1147, 50, 3194, 674, 2715, 476, 278, 2853, 1245, 875, 1795, 3256, 2252, 1589, 772, 889, 2756, 1761, 409, 1927, 3635, 463, 1306, 2819, 4066, 911, 606, 1005, 2380, 1491, 1908, 3682, 2075, 1129, 1163, 3866, 46, 2472, 197, 345, 1280, 1405],
], dtype=np.int32)

_IDX3 = np.stack([
    (c * 12288 + np.concatenate([_IDX[c] * 3 + k for k in range(3)]))
    .reshape(6, 128)
    for c in range(2)
]).astype(np.int32)


def _sqrt16(d2):
    h = d2 * jnp.float32(0.5)
    i = plsc.bitcast(d2, jnp.int32)
    i = jnp.int32(0x5F3759DF) - lax.shift_right_logical(i, 1)
    y = plsc.bitcast(i, jnp.float32)
    y = y * (jnp.float32(1.5) - h * y * y)
    y = y * (jnp.float32(1.5) - h * y * y)
    y = y * (jnp.float32(1.5) - h * y * y)
    return d2 * y


_MESH = plsc.VectorSubcoreMesh(core_axis_name="c", subcore_axis_name="s")


@functools.partial(
    pl.kernel,
    mesh=_MESH,
    out_type=jax.ShapeDtypeStruct((2, 16), jnp.float32),
    compiler_params=pltpu.CompilerParams(needs_layout_passes=False),
    scratch_types=[
        pltpu.VMEM((6, 128), jnp.int32),
        pltpu.VMEM((768,), jnp.float32),
        pltpu.VMEM((768,), jnp.float32),
        pltpu.VMEM((4096,), jnp.float32),
        pltpu.VMEM((16,), jnp.float32),
        pltpu.VMEM((16,), jnp.int32),
        pltpu.VMEM((65536,), jnp.float32),
        pltpu.VMEM((256,), jnp.float32),
        pltpu.VMEM((256,), jnp.int32),
        pltpu.VMEM((256,), jnp.float32),
        pltpu.VMEM((16,), jnp.float32),
        pltpu.VMEM_SHARED((65536,), jnp.float32),
        pltpu.VMEM_SHARED((256,), jnp.float32),
        pltpu.VMEM_SHARED((256,), jnp.int32),
        pltpu.SemaphoreType.DMA,
    ],
)
def _sc_greedy_emd(s1_hbm, s2_hbm, idx_hbm, out_hbm, idxv, acomp, bcomp,
                   block, rmloc, raloc, cost, rowmin, rowarg, coldead, lossv,
                   sp_cost, sp_rmin, sp_rarg, sem):
    c = lax.axis_index("c")
    s = lax.axis_index("s")
    lane = lax.iota(jnp.int32, 16)
    lane0 = lane == 0

    pltpu.sync_copy(idx_hbm.at[c], idxv)
    copies = []
    for j in range(6):
        copies.append(pltpu.async_copy(
            s1_hbm.at[idxv.at[j]], acomp.at[pl.ds(j * 128, 128)], sem))
        copies.append(pltpu.async_copy(
            s2_hbm.at[idxv.at[j]], bcomp.at[pl.ds(j * 128, 128)], sem))
    for cp in copies:
        cp.wait()

    def build_row(rl, _):
        rg = s * 16 + rl
        rgv = jnp.full((16,), rg, jnp.int32)
        ax = plsc.load_gather(acomp, [rgv])
        ay = plsc.load_gather(acomp, [rgv + 256])
        az = plsc.load_gather(acomp, [rgv + 512])

        def build_chunk(cc, carry):
            mv, av = carry
            base = cc * 16
            bx = bcomp[pl.ds(base, 16)]
            by = bcomp[pl.ds(base + 256, 16)]
            bz = bcomp[pl.ds(base + 512, 16)]
            dx = ax - bx
            dy = ay - by
            dz = az - bz
            dist = _sqrt16(dx * dx + dy * dy + dz * dz)
            block[pl.ds(rl * 256 + base, 16)] = dist
            better = dist < mv
            mv = jnp.where(better, dist, mv)
            av = jnp.where(better, jnp.full((16,), cc, jnp.int32), av)
            return mv, av

        mv, av = lax.fori_loop(
            0, 16, build_chunk,
            (jnp.full((16,), _BIG, jnp.float32), jnp.zeros((16,), jnp.int32)),
            unroll=4)
        rmin = jnp.min(mv)
        rarg = jnp.min(jnp.where(mv == rmin, av * 16 + lane, _BIGI))
        rlv = jnp.full((16,), rl, jnp.int32)
        plsc.store_scatter(rmloc, [rlv], jnp.full((16,), rmin, jnp.float32),
                           mask=lane0)
        plsc.store_scatter(raloc, [rlv], jnp.full((16,), rarg, jnp.int32),
                           mask=lane0)
        return 0

    lax.fori_loop(0, 16, build_row, 0)

    pltpu.sync_copy(block, sp_cost.at[pl.ds(s * 4096, 4096)])
    pltpu.sync_copy(rmloc, sp_rmin.at[pl.ds(s * 16, 16)])
    pltpu.sync_copy(raloc, sp_rarg.at[pl.ds(s * 16, 16)])
    plsc.subcore_barrier()

    @pl.when(s == 0)
    def _():
        big_copy = pltpu.async_copy(sp_cost, cost, sem)
        pltpu.sync_copy(sp_rmin, rowmin)
        pltpu.sync_copy(sp_rarg, rowarg)
        zeros = jnp.zeros((16,), jnp.float32)

        def init_chunk(j, l1):
            coldead[pl.ds(j * 16, 16)] = zeros
            m = jnp.min(rowmin[pl.ds(j * 16, 16)])
            return jnp.where(lane == j, m, l1)

        lvl1_0 = lax.fori_loop(0, 16, init_chunk,
                               jnp.full((16,), _BIG, jnp.float32))
        big_copy.wait()

        def pop(carry):
            acc, loss, lvl1 = carry
            gmin = jnp.min(lvl1)
            j = plsc.all_reduce_ffs(lvl1 == gmin)[0]
            v = rowmin[pl.ds(j * 16, 16)]
            l = plsc.all_reduce_ffs(v == gmin)[0]
            r = j * 16 + l
            rv = jnp.full((16,), r, jnp.int32)
            tv = plsc.load_gather(rowarg, [rv])
            alive = plsc.load_gather(coldead, [tv])[0] == jnp.float32(0.0)

            def accept(acc, loss, lvl1):
                plsc.store_scatter(rowmin, [rv],
                                   jnp.full((16,), _BIG, jnp.float32),
                                   mask=lane0)
                plsc.store_scatter(coldead, [tv],
                                   jnp.full((16,), _BIG, jnp.float32),
                                   mask=lane0)
                m = jnp.min(jnp.where(lane == l, _BIG, v))
                lvl1 = jnp.where(lane == j, m, lvl1)
                return acc + 1, loss + gmin, lvl1

            def recompute(acc, loss, lvl1):
                def r_chunk(jj, cr):
                    mv2, av2 = cr
                    vv = (cost[pl.ds(r * 256 + jj * 16, 16)]
                          + coldead[pl.ds(jj * 16, 16)])
                    better = vv < mv2
                    mv2 = jnp.where(better, vv, mv2)
                    av2 = jnp.where(better, jnp.full((16,), jj, jnp.int32),
                                    av2)
                    return mv2, av2

                mv2, av2 = lax.fori_loop(
                    0, 16, r_chunk,
                    (jnp.full((16,), _BIG, jnp.float32),
                     jnp.zeros((16,), jnp.int32)), unroll=4)
                nmin = jnp.min(mv2)
                narg = jnp.min(jnp.where(mv2 == nmin, av2 * 16 + lane, _BIGI))
                plsc.store_scatter(rowmin, [rv],
                                   jnp.full((16,), nmin, jnp.float32),
                                   mask=lane0)
                plsc.store_scatter(rowarg, [rv],
                                   jnp.full((16,), narg, jnp.int32),
                                   mask=lane0)
                m = jnp.min(jnp.where(lane == l, nmin, v))
                lvl1 = jnp.where(lane == j, m, lvl1)
                return acc, loss, lvl1

            return lax.cond(alive, accept, recompute, acc, loss, lvl1)

        _, loss, _ = lax.while_loop(
            lambda cl: cl[0] < _NUM, pop,
            (jnp.int32(0), jnp.float32(0.0), lvl1_0))
        lossv[...] = jnp.full((16,), loss, jnp.float32)
        pltpu.sync_copy(lossv, out_hbm.at[c])


def kernel(S1, S2):
    out = _sc_greedy_emd(S1.reshape(-1), S2.reshape(-1), jnp.asarray(_IDX3))
    return (out[0, 0] + out[1, 0]) / jnp.float32(2 * _NUM)

# --- scband reference (transcript-rebuilt; emitter-appended) ---
"""Pipeline reference for scband-approximate-emdnew-24575802868184 (READ-ONLY COPY).

The authoritative reference and input builder live on the scoring server;
editing this copy changes nothing except your own understanding.
"""

import jax, jax.numpy as jnp
import numpy as np

NUM_SAMPLES = 256


def setup_inputs(seed: int = 0) -> dict:
    key = jax.random.key(seed)
    k1, k2 = jax.random.split(key)
    S1 = jax.random.normal(k1, (2, 4096, 3), dtype=jnp.float32)
    S2 = jax.random.normal(k2, (2, 4096, 3), dtype=jnp.float32)
    return {"S1": S1, "S2": S2}


def _cdist(a, b):
    # pairwise euclidean distance, p=2 (matches torch.cdist)
    d = a[:, None, :] - b[None, :, :]
    return jnp.sqrt(jnp.sum(d * d, axis=-1))


def _greedy_match_loss(cost):
    # Greedy bipartite matching: repeatedly take the global min entry,
    # accumulate its cost, and mask out its row and column with +inf.
    def step(carry, _):
        c, loss = carry
        min_val = jnp.min(c, axis=1)
        min_idx = jnp.argmin(c, axis=1)
        min_point_idx = jnp.argmin(min_val)
        target_idx = min_idx[min_point_idx]
        loss = loss + c[min_point_idx, target_idx]
        c = c.at[min_point_idx, :].set(jnp.inf)
        c = c.at[:, target_idx].set(jnp.inf)
        return (c, loss), None

    (_, loss), _ = jax.lax.scan(step, (cost, jnp.float32(0.0)), None, length=NUM_SAMPLES)
    return loss


def reference(S1, S2):
    batch_size, N, _ = S1.shape
    emd_loss = jnp.float32(0.0)
    for i in range(batch_size):
        # torch.randperm(N)[:num_samples] equivalent (deterministic key per batch elem)
        perm = jax.random.permutation(jax.random.key(100 + i), N)
        idx = perm[:NUM_SAMPLES]
        sampled_S1 = S1[i, idx]
        sampled_S2 = S2[i, idx]
        cost = _cdist(sampled_S1, sampled_S2)
        loss = _greedy_match_loss(cost)
        emd_loss = emd_loss + loss / NUM_SAMPLES
    emd_loss = emd_loss / batch_size
    return emd_loss

if __name__ == "__main__":
    import jax
    _d = setup_inputs()
    print(jax.jit(kernel)(*tuple(_d.values())))

</pallas_src>

<mosaic_0001>
#map = affine_map<(d0, d1) -> (0)>
#map1 = affine_map<(d0, d1) -> (0, 0, 0)>
#map2 = affine_map<(d0, d1) -> (0, 0)>
module attributes {stable_mosaic.version = 14 : i64} {
  func.func @_sc_greedy_emd(%arg0: i32, %arg1: i32, %arg2: memref<24576xf32, #tpu.memory_space<hbm>>, %arg3: memref<24576xf32, #tpu.memory_space<hbm>>, %arg4: memref<2x6x128xi32, #tpu.memory_space<hbm>>, %arg5: memref<2x16xf32, #tpu.memory_space<hbm>>, %arg6: memref<6x128xi32, #tpu.memory_space<vmem>>, %arg7: memref<768xf32, #tpu.memory_space<vmem>>, %arg8: memref<768xf32, #tpu.memory_space<vmem>>, %arg9: memref<4096xf32, #tpu.memory_space<vmem>>, %arg10: memref<16xf32, #tpu.memory_space<vmem>>, %arg11: memref<16xi32, #tpu.memory_space<vmem>>, %arg12: memref<65536xf32, #tpu.memory_space<vmem>>, %arg13: memref<256xf32, #tpu.memory_space<vmem>>, %arg14: memref<256xi32, #tpu.memory_space<vmem>>, %arg15: memref<256xf32, #tpu.memory_space<vmem>>, %arg16: memref<16xf32, #tpu.memory_space<vmem>>, %arg17: memref<65536xf32, #tpu.memory_space<vmem_shared>>, %arg18: memref<256xf32, #tpu.memory_space<vmem_shared>>, %arg19: memref<256xi32, #tpu.memory_space<vmem_shared>>, %arg20: memref<!tpu.dma_semaphore, #tpu.memory_space<semaphore_mem>>) attributes {dimension_semantics = [#tpu.dimension_semantics<core_parallel>, #tpu.dimension_semantics<subcore_parallel>], iteration_bounds = array<i64: 2, 16>, scalar_prefetch = 0 : i64, scratch_operands = 15 : i64, tpu.core_type = #tpu.core_type<sc_vector_subcore>, window_params = [{transform_indices = #map}, {transform_indices = #map}, {transform_indices = #map1}, {transform_indices = #map2}]} {
    %iota3A = tpu.iota {dimensions = array<i32: 0>} : vector<16xi32>
    %eq3A = arith.constant 0 : i32
    %eq3A_0 = vector.broadcast %eq3A : i32 to vector<16xi32>
    %eq3A_1 = arith.cmpi eq, %iota3A, %eq3A_0 : vector<16xi32>
    "tpu.region"() ({
      %run_scoped3A = tpu.sem_alloc : memref<!tpu.dma_semaphore, #tpu.memory_space<semaphore_mem>>
      %dma_start3A_206 = arith.constant 0 : i32
      %dma_start3A_207 = arith.constant 0 : i32
      %dma_start3A_208 = tpu.memref_slice %arg4[%arg0, %dma_start3A_206, %dma_start3A_207] : memref<2x6x128xi32, #tpu.memory_space<hbm>> -> memref<1x6x128xi32, #tpu.memory_space<hbm>>
      %dma_start3A_209 = tpu.memref_squeeze %dma_start3A_208 : memref<1x6x128xi32, #tpu.memory_space<hbm>> -> memref<6x128xi32, #tpu.memory_space<hbm>>
      %dma_start3A_210 = arith.constant 0 : i32
      %dma_start3A_211 = arith.constant 0 : i32
      %dma_start3A_212 = tpu.memref_slice %arg4[%arg0, %dma_start3A_210, %dma_start3A_211] : memref<2x6x128xi32, #tpu.memory_space<hbm>> -> memref<1x6x128xi32, #tpu.memory_space<hbm>>
      %dma_start3A_213 = tpu.memref_squeeze %dma_start3A_212 : memref<1x6x128xi32, #tpu.memory_space<hbm>> -> memref<6x128xi32, #tpu.memory_space<hbm>>
      tpu.enqueue_dma source(%dma_start3A_213 : memref<6x128xi32, #tpu.memory_space<hbm>>) target(%arg6 : memref<6x128xi32, #tpu.memory_space<vmem>>) target_semaphore(%run_scoped3A : memref<!tpu.dma_semaphore, #tpu.memory_space<semaphore_mem>>)
      %dma_wait3A_214 = arith.constant 0 : i32
      %dma_wait3A_215 = arith.constant 0 : i32
      %dma_wait3A_216 = tpu.memref_slice %arg4[%arg0, %dma_wait3A_214, %dma_wait3A_215] : memref<2x6x128xi32, #tpu.memory_space<hbm>> -> memref<1x6x128xi32, #tpu.memory_space<hbm>>
      %dma_wait3A_217 = tpu.memref_squeeze %dma_wait3A_216 : memref<1x6x128xi32, #tpu.memory_space<hbm>> -> memref<6x128xi32, #tpu.memory_space<hbm>>
      %dma_wait3A_218 = arith.constant 0 : i32
      %dma_wait3A_219 = arith.constant 0 : i32
      %dma_wait3A_220 = tpu.memref_slice %arg4[%arg0, %dma_wait3A_218, %dma_wait3A_219] : memref<2x6x128xi32, #tpu.memory_space<hbm>> -> memref<1x6x128xi32, #tpu.memory_space<hbm>>
      %dma_wait3A_221 = tpu.memref_squeeze %dma_wait3A_220 : memref<1x6x128xi32, #tpu.memory_space<hbm>> -> memref<6x128xi32, #tpu.memory_space<hbm>>
      tpu.wait_dma2 semaphore(%run_scoped3A : memref<!tpu.dma_semaphore, #tpu.memory_space<semaphore_mem>>) src(%dma_wait3A_221 : memref<6x128xi32, #tpu.memory_space<hbm>>) dst(%arg6 : memref<6x128xi32, #tpu.memory_space<vmem>>)
      tpu.yield
    }) : () -> ()
    %dma_start3A = arith.constant 0 : i32
    %dma_start3A_2 = arith.constant 0 : i32
    %dma_start3A_3 = tpu.memref_slice %arg7[%dma_start3A_2] : memref<768xf32, #tpu.memory_space<vmem>> -> memref<128xf32, #tpu.memory_space<vmem>>
    %dma_start3A_4 = arith.constant 0 : i32
    %dma_start3A_5 = tpu.memref_slice %arg6[%dma_start3A, %dma_start3A_4] : memref<6x128xi32, #tpu.memory_space<vmem>> -> memref<1x128xi32, #tpu.memory_space<vmem>>
    %dma_start3A_6 = tpu.memref_squeeze %dma_start3A_5 : memref<1x128xi32, #tpu.memory_space<vmem>> -> memref<128xi32, #tpu.memory_space<vmem>>
    %dma_start3A_7 = arith.constant 0 : i32
    %dma_start3A_8 = tpu.memref_slice %arg2[%dma_start3A_7] : memref<24576xf32, #tpu.memory_space<hbm>> -> memref<24576xf32, #tpu.memory_space<hbm>>
    tpu.enqueue_indirect_dma source(%dma_start3A_8 : memref<24576xf32, #tpu.memory_space<hbm>>) target(%dma_start3A_3 : memref<128xf32, #tpu.memory_space<vmem>>) offsets(%dma_start3A_6 : memref<128xi32, #tpu.memory_space<vmem>>) semaphore(%arg20 : memref<!tpu.dma_semaphore, #tpu.memory_space<semaphore_mem>>)
    %dma_start3A_9 = arith.constant 0 : i32
    %dma_start3A_10 = arith.constant 0 : i32
    %dma_start3A_11 = tpu.memref_slice %arg8[%dma_start3A_10] : memref<768xf32, #tpu.memory_space<vmem>> -> memref<128xf32, #tpu.memory_space<vmem>>
    %dma_start3A_12 = arith.constant 0 : i32
    %dma_start3A_13 = tpu.memref_slice %arg6[%dma_start3A_9, %dma_start3A_12] : memref<6x128xi32, #tpu.memory_space<vmem>> -> memref<1x128xi32, #tpu.memory_space<vmem>>
    %dma_start3A_14 = tpu.memref_squeeze %dma_start3A_13 : memref<1x128xi32, #tpu.memory_space<vmem>> -> memref<128xi32, #tpu.memory_space<vmem>>
    %dma_start3A_15 = arith.constant 0 : i32
    %dma_start3A_16 = tpu.memref_slice %arg3[%dma_start3A_15] : memref<24576xf32, #tpu.memory_space<hbm>> -> memref<24576xf32, #tpu.memory_space<hbm>>
    tpu.enqueue_indirect_dma source(%dma_start3A_16 : memref<24576xf32, #tpu.memory_space<hbm>>) target(%dma_start3A_11 : memref<128xf32, #tpu.memory_space<vmem>>) offsets(%dma_start3A_14 : memref<128xi32, #tpu.memory_space<vmem>>) semaphore(%arg20 : memref<!tpu.dma_semaphore, #tpu.memory_space<semaphore_mem>>)
    %dma_start3A_17 = arith.constant 1 : i32
    %dma_start3A_18 = arith.constant 128 : i32
    %dma_start3A_19 = tpu.memref_slice %arg7[%dma_start3A_18] : memref<768xf32, #tpu.memory_space<vmem>> -> memref<128xf32, #tpu.memory_space<vmem>>
    %dma_start3A_20 = arith.constant 0 : i32
    %dma_start3A_21 = tpu.memref_slice %arg6[%dma_start3A_17, %dma_start3A_20] : memref<6x128xi32, #tpu.memory_space<vmem>> -> memref<1x128xi32, #tpu.memory_space<vmem>>
    %dma_start3A_22 = tpu.memref_squeeze %dma_start3A_21 : memref<1x128xi32, #tpu.memory_space<vmem>> -> memref<128xi32, #tpu.memory_space<vmem>>
    %dma_start3A_23 = arith.constant 0 : i32
    %dma_start3A_24 = tpu.memref_slice %arg2[%dma_start3A_23] : memref<24576xf32, #tpu.memory_space<hbm>> -> memref<24576xf32, #tpu.memory_space<hbm>>
    tpu.enqueue_indirect_dma source(%dma_start3A_24 : memref<24576xf32, #tpu.memory_space<hbm>>) target(%dma_start3A_19 : memref<128xf32, #tpu.memory_space<vmem>>) offsets(%dma_start3A_22 : memref<128xi32, #tpu.memory_space<vmem>>) semaphore(%arg20 : memref<!tpu.dma_semaphore, #tpu.memory_space<semaphore_mem>>)
    %dma_start3A_25 = arith.constant 1 : i32
    %dma_start3A_26 = arith.constant 128 : i32
    %dma_start3A_27 = tpu.memref_slice %arg8[%dma_start3A_26] : memref<768xf32, #tpu.memory_space<vmem>> -> memref<128xf32, #tpu.memory_space<vmem>>
    %dma_start3A_28 = arith.constant 0 : i32
    %dma_start3A_29 = tpu.memref_slice %arg6[%dma_start3A_25, %dma_start3A_28] : memref<6x128xi32, #tpu.memory_space<vmem>> -> memref<1x128xi32, #tpu.memory_space<vmem>>
    %dma_start3A_30 = tpu.memref_squeeze %dma_start3A_29 : memref<1x128xi32, #tpu.memory_space<vmem>> -> memref<128xi32, #tpu.memory_space<vmem>>
    %dma_start3A_31 = arith.constant 0 : i32
    %dma_start3A_32 = tpu.memref_slice %arg3[%dma_start3A_31] : memref<24576xf32, #tpu.memory_space<hbm>> -> memref<24576xf32, #tpu.memory_space<hbm>>
    tpu.enqueue_indirect_dma source(%dma_start3A_32 : memref<24576xf32, #tpu.memory_space<hbm>>) target(%dma_start3A_27 : memref<128xf32, #tpu.memory_space<vmem>>) offsets(%dma_start3A_30 : memref<128xi32, #tpu.memory_space<vmem>>) semaphore(%arg20 : memref<!tpu.dma_semaphore, #tpu.memory_space<semaphore_mem>>)
    %dma_start3A_33 = arith.constant 2 : i32
    %dma_start3A_34 = arith.constant 256 : i32
    %dma_start3A_35 = tpu.memref_slice %arg7[%dma_start3A_34] : memref<768xf32, #tpu.memory_space<vmem>> -> memref<128xf32, #tpu.memory_space<vmem>>
    %dma_start3A_36 = arith.constant 0 : i32
    %dma_start3A_37 = tpu.memref_slice %arg6[%dma_start3A_33, %dma_start3A_36] : memref<6x128xi32, #tpu.memory_space<vmem>> -> memref<1x128xi32, #tpu.memory_space<vmem>>
    %dma_start3A_38 = tpu.memref_squeeze %dma_start3A_37 : memref<1x128xi32, #tpu.memory_space<vmem>> -> memref<128xi32, #tpu.memory_space<vmem>>
    %dma_start3A_39 = arith.constant 0 : i32
    %dma_start3A_40 = tpu.memref_slice %arg2[%dma_start3A_39] : memref<24576xf32, #tpu.memory_space<hbm>> -> memref<24576xf32, #tpu.memory_space<hbm>>
    tpu.enqueue_indirect_dma source(%dma_start3A_40 : memref<24576xf32, #tpu.memory_space<hbm>>) target(%dma_start3A_35 : memref<128xf32, #tpu.memory_space<vmem>>) offsets(%dma_start3A_38 : memref<128xi32, #tpu.memory_space<vmem>>) semaphore(%arg20 : memref<!tpu.dma_semaphore, #tpu.memory_space<semaphore_mem>>)
    %dma_start3A_41 = arith.constant 2 : i32
    %dma_start3A_42 = arith.constant 256 : i32
    %dma_start3A_43 = tpu.memref_slice %arg8[%dma_start3A_42] : memref<768xf32, #tpu.memory_space<vmem>> -> memref<128xf32, #tpu.memory_space<vmem>>
    %dma_start3A_44 = arith.constant 0 : i32
    %dma_start3A_45 = tpu.memref_slice %arg6[%dma_start3A_41, %dma_start3A_44] : memref<6x128xi32, #tpu.memory_space<vmem>> -> memref<1x128xi32, #tpu.memory_space<vmem>>
    %dma_start3A_46 = tpu.memref_squeeze %dma_start3A_45 : memref<1x128xi32, #tpu.memory_space<vmem>> -> memref<128xi32, #tpu.memory_space<vmem>>
    %dma_start3A_47 = arith.constant 0 : i32
    %dma_start3A_48 = tpu.memref_slice %arg3[%dma_start3A_47] : memref<24576xf32, #tpu.memory_space<hbm>> -> memref<24576xf32, #tpu.memory_space<hbm>>
    tpu.enqueue_indirect_dma source(%dma_start3A_48 : memref<24576xf32, #tpu.memory_space<hbm>>) target(%dma_start3A_43 : memref<128xf32, #tpu.memory_space<vmem>>) offsets(%dma_start3A_46 : memref<128xi32, #tpu.memory_space<vmem>>) semaphore(%arg20 : memref<!tpu.dma_semaphore, #tpu.memory_space<semaphore_mem>>)
    %dma_start3A_49 = arith.constant 3 : i32
    %dma_start3A_50 = arith.constant 384 : i32
    %dma_start3A_51 = tpu.memref_slice %arg7[%dma_start3A_50] : memref<768xf32, #tpu.memory_space<vmem>> -> memref<128xf32, #tpu.memory_space<vmem>>
    %dma_start3A_52 = arith.constant 0 : i32
    %dma_start3A_53 = tpu.memref_slice %arg6[%dma_start3A_49, %dma_start3A_52] : memref<6x128xi32, #tpu.memory_space<vmem>> -> memref<1x128xi32, #tpu.memory_space<vmem>>
    %dma_start3A_54 = tpu.memref_squeeze %dma_start3A_53 : memref<1x128xi32, #tpu.memory_space<vmem>> -> memref<128xi32, #tpu.memory_space<vmem>>
    %dma_start3A_55 = arith.constant 0 : i32
    %dma_start3A_56 = tpu.memref_slice %arg2[%dma_start3A_55] : memref<24576xf32, #tpu.memory_space<hbm>> -> memref<24576xf32, #tpu.memory_space<hbm>>
    tpu.enqueue_indirect_dma source(%dma_start3A_56 : memref<24576xf32, #tpu.memory_space<hbm>>) target(%dma_start3A_51 : memref<128xf32, #tpu.memory_space<vmem>>) offsets(%dma_start3A_54 : memref<128xi32, #tpu.memory_space<vmem>>) semaphore(%arg20 : memref<!tpu.dma_semaphore, #tpu.memory_space<semaphore_mem>>)
    %dma_start3A_57 = arith.constant 3 : i32
    %dma_start3A_58 = arith.constant 384 : i32
    %dma_start3A_59 = tpu.memref_slice %arg8[%dma_start3A_58] : memref<768xf32, #tpu.memory_space<vmem>> -> memref<128xf32, #tpu.memory_space<vmem>>
    %dma_start3A_60 = arith.constant 0 : i32
    %dma_start3A_61 = tpu.memref_slice %arg6[%dma_start3A_57, %dma_start3A_60] : memref<6x128xi32, #tpu.memory_space<vmem>> -> memref<1x128xi32, #tpu.memory_space<vmem>>
    %dma_start3A_62 = tpu.memref_squeeze %dma_start3A_61 : memref<1x128xi32, #tpu.memory_space<vmem>> -> memref<128xi32, #tpu.memory_space<vmem>>
    %dma_start3A_63 = arith.constant 0 : i32
    %dma_start3A_64 = tpu.memref_slice %arg3[%dma_start3A_63] : memref<24576xf32, #tpu.memory_space<hbm>> -> memref<24576xf32, #tpu.memory_space<hbm>>
    tpu.enqueue_indirect_dma source(%dma_start3A_64 : memref<24576xf32, #tpu.memory_space<hbm>>) target(%dma_start3A_59 : memref<128xf32, #tpu.memory_space<vmem>>) offsets(%dma_start3A_62 : memref<128xi32, #tpu.memory_space<vmem>>) semaphore(%arg20 : memref<!tpu.dma_semaphore, #tpu.memory_space<semaphore_mem>>)
    %dma_start3A_65 = arith.constant 4 : i32
    %dma_start3A_66 = arith.constant 512 : i32
    %dma_start3A_67 = tpu.memref_slice %arg7[%dma_start3A_66] : memref<768xf32, #tpu.memory_space<vmem>> -> memref<128xf32, #tpu.memory_space<vmem>>
    %dma_start3A_68 = arith.constant 0 : i32
    %dma_start3A_69 = tpu.memref_slice %arg6[%dma_start3A_65, %dma_start3A_68] : memref<6x128xi32, #tpu.memory_space<vmem>> -> memref<1x128xi32, #tpu.memory_space<vmem>>
    %dma_start3A_70 = tpu.memref_squeeze %dma_start3A_69 : memref<1x128xi32, #tpu.memory_space<vmem>> -> memref<128xi32, #tpu.memory_space<vmem>>
    %dma_start3A_71 = arith.constant 0 : i32
    %dma_start3A_72 = tpu.memref_slice %arg2[%dma_start3A_71] : memref<24576xf32, #tpu.memory_space<hbm>> -> memref<24576xf32, #tpu.memory_space<hbm>>
    tpu.enqueue_indirect_dma source(%dma_start3A_72 : memref<24576xf32, #tpu.memory_space<hbm>>) target(%dma_start3A_67 : memref<128xf32, #tpu.memory_space<vmem>>) offsets(%dma_start3A_70 : memref<128xi32, #tpu.memory_space<vmem>>) semaphore(%arg20 : memref<!tpu.dma_semaphore, #tpu.memory_space<semaphore_mem>>)
    %dma_start3A_73 = arith.constant 4 : i32
    %dma_start3A_74 = arith.constant 512 : i32
    %dma_start3A_75 = tpu.memref_slice %arg8[%dma_start3A_74] : memref<768xf32, #tpu.memory_space<vmem>> -> memref<128xf32, #tpu.memory_space<vmem>>
    %dma_start3A_76 = arith.constant 0 : i32
    %dma_start3A_77 = tpu.memref_slice %arg6[%dma_start3A_73, %dma_start3A_76] : memref<6x128xi32, #tpu.memory_space<vmem>> -> memref<1x128xi32, #tpu.memory_space<vmem>>
    %dma_start3A_78 = tpu.memref_squeeze %dma_start3A_77 : memref<1x128xi32, #tpu.memory_space<vmem>> -> memref<128xi32, #tpu.memory_space<vmem>>
    %dma_start3A_79 = arith.constant 0 : i32
    %dma_start3A_80 = tpu.memref_slice %arg3[%dma_start3A_79] : memref<24576xf32, #tpu.memory_space<hbm>> -> memref<24576xf32, #tpu.memory_space<hbm>>
    tpu.enqueue_indirect_dma source(%dma_start3A_80 : memref<24576xf32, #tpu.memory_space<hbm>>) target(%dma_start3A_75 : memref<128xf32, #tpu.memory_space<vmem>>) offsets(%dma_start3A_78 : memref<128xi32, #tpu.memory_space<vmem>>) semaphore(%arg20 : memref<!tpu.dma_semaphore, #tpu.memory_space<semaphore_mem>>)
    %dma_start3A_81 = arith.constant 5 : i32
    %dma_start3A_82 = arith.constant 640 : i32
    %dma_start3A_83 = tpu.memref_slice %arg7[%dma_start3A_82] : memref<768xf32, #tpu.memory_space<vmem>> -> memref<128xf32, #tpu.memory_space<vmem>>
    %dma_start3A_84 = arith.constant 0 : i32
    %dma_start3A_85 = tpu.memref_slice %arg6[%dma_start3A_81, %dma_start3A_84] : memref<6x128xi32, #tpu.memory_space<vmem>> -> memref<1x128xi32, #tpu.memory_space<vmem>>
    %dma_start3A_86 = tpu.memref_squeeze %dma_start3A_85 : memref<1x128xi32, #tpu.memory_space<vmem>> -> memref<128xi32, #tpu.memory_space<vmem>>
    %dma_start3A_87 = arith.constant 0 : i32
    %dma_start3A_88 = tpu.memref_slice %arg2[%dma_start3A_87] : memref<24576xf32, #tpu.memory_space<hbm>> -> memref<24576xf32, #tpu.memory_space<hbm>>
    tpu.enqueue_indirect_dma source(%dma_start3A_88 : memref<24576xf32, #tpu.memory_space<hbm>>) target(%dma_start3A_83 : memref<128xf32, #tpu.memory_space<vmem>>) offsets(%dma_start3A_86 : memref<128xi32, #tpu.memory_space<vmem>>) semaphore(%arg20 : memref<!tpu.dma_semaphore, #tpu.memory_space<semaphore_mem>>)
    %dma_start3A_89 = arith.constant 5 : i32
    %dma_start3A_90 = arith.constant 640 : i32
    %dma_start3A_91 = tpu.memref_slice %arg8[%dma_start3A_90] : memref<768xf32, #tpu.memory_space<vmem>> -> memref<128xf32, #tpu.memory_space<vmem>>
    %dma_start3A_92 = arith.constant 0 : i32
    %dma_start3A_93 = tpu.memref_slice %arg6[%dma_start3A_89, %dma_start3A_92] : memref<6x128xi32, #tpu.memory_space<vmem>> -> memref<1x128xi32, #tpu.memory_space<vmem>>
    %dma_start3A_94 = tpu.memref_squeeze %dma_start3A_93 : memref<1x128xi32, #tpu.memory_space<vmem>> -> memref<128xi32, #tpu.memory_space<vmem>>
    %dma_start3A_95 = arith.constant 0 : i32
    %dma_start3A_96 = tpu.memref_slice %arg3[%dma_start3A_95] : memref<24576xf32, #tpu.memory_space<hbm>> -> memref<24576xf32, #tpu.memory_space<hbm>>
    tpu.enqueue_indirect_dma source(%dma_start3A_96 : memref<24576xf32, #tpu.memory_space<hbm>>) target(%dma_start3A_91 : memref<128xf32, #tpu.memory_space<vmem>>) offsets(%dma_start3A_94 : memref<128xi32, #tpu.memory_space<vmem>>) semaphore(%arg20 : memref<!tpu.dma_semaphore, #tpu.memory_space<semaphore_mem>>)
    %dma_wait3A = arith.constant 0 : i32
    %dma_wait3A_97 = arith.constant 0 : i32
    %dma_wait3A_98 = tpu.memref_slice %arg7[%dma_wait3A_97] : memref<768xf32, #tpu.memory_space<vmem>> -> memref<128xf32, #tpu.memory_space<vmem>>
    %dma_wait3A_99 = arith.constant 0 : i32
    %dma_wait3A_100 = tpu.memref_slice %arg6[%dma_wait3A, %dma_wait3A_99] : memref<6x128xi32, #tpu.memory_space<vmem>> -> memref<1x128xi32, #tpu.memory_space<vmem>>
    %dma_wait3A_101 = tpu.memref_squeeze %dma_wait3A_100 : memref<1x128xi32, #tpu.memory_space<vmem>> -> memref<128xi32, #tpu.memory_space<vmem>>
    %dma_wait3A_102 = arith.constant 0 : i32
    %dma_wait3A_103 = tpu.memref_slice %arg2[%dma_wait3A_102] : memref<24576xf32, #tpu.memory_space<hbm>> -> memref<24576xf32, #tpu.memory_space<hbm>>
    tpu.wait_indirect_dma semaphore(%arg20 : memref<!tpu.dma_semaphore, #tpu.memory_space<semaphore_mem>>) src(%dma_wait3A_103 : memref<24576xf32, #tpu.memory_space<hbm>>) dst(%dma_wait3A_98 : memref<128xf32, #tpu.memory_space<vmem>>)
    %dma_wait3A_104 = arith.constant 0 : i32
    %dma_wait3A_105 = arith.constant 0 : i32
    %dma_wait3A_106 = tpu.memref_slice %arg8[%dma_wait3A_105] : memref<768xf32, #tpu.memory_space<vmem>> -> memref<128xf32, #tpu.memory_space<vmem>>
    %dma_wait3A_107 = arith.constant 0 : i32
    %dma_wait3A_108 = tpu.memref_slice %arg6[%dma_wait3A_104, %dma_wait3A_107] : memref<6x128xi32, #tpu.memory_space<vmem>> -> memref<1x128xi32, #tpu.memory_space<vmem>>
    %dma_wait3A_109 = tpu.memref_squeeze %dma_wait3A_108 : memref<1x128xi32, #tpu.memory_space<vmem>> -> memref<128xi32, #tpu.memory_space<vmem>>
    %dma_wait3A_110 = arith.constant 0 : i32
    %dma_wait3A_111 = tpu.memref_slice %arg3[%dma_wait3A_110] : memref<24576xf32, #tpu.memory_space<hbm>> -> memref<24576xf32, #tpu.memory_space<hbm>>
    tpu.wait_indirect_dma semaphore(%arg20 : memref<!tpu.dma_semaphore, #tpu.memory_space<semaphore_mem>>) src(%dma_wait3A_111 : memref<24576xf32, #tpu.memory_space<hbm>>) dst(%dma_wait3A_106 : memref<128xf32, #tpu.memory_space<vmem>>)
    %dma_wait3A_112 = arith.constant 1 : i32
    %dma_wait3A_113 = arith.constant 128 : i32
    %dma_wait3A_114 = tpu.memref_slice %arg7[%dma_wait3A_113] : memref<768xf32, #tpu.memory_space<vmem>> -> memref<128xf32, #tpu.memory_space<vmem>>
    %dma_wait3A_115 = arith.constant 0 : i32
    %dma_wait3A_116 = tpu.memref_slice %arg6[%dma_wait3A_112, %dma_wait3A_115] : memref<6x128xi32, #tpu.memory_space<vmem>> -> memref<1x128xi32, #tpu.memory_space<vmem>>
    %dma_wait3A_117 = tpu.memref_squeeze %dma_wait3A_116 : memref<1x128xi32, #tpu.memory_space<vmem>> -> memref<128xi32, #tpu.memory_space<vmem>>
    %dma_wait3A_118 = arith.constant 0 : i32
    %dma_wait3A_119 = tpu.memref_slice %arg2[%dma_wait3A_118] : memref<24576xf32, #tpu.memory_space<hbm>> -> memref<24576xf32, #tpu.memory_space<hbm>>
    tpu.wait_indirect_dma semaphore(%arg20 : memref<!tpu.dma_semaphore, #tpu.memory_space<semaphore_mem>>) src(%dma_wait3A_119 : memref<24576xf32, #tpu.memory_space<hbm>>) dst(%dma_wait3A_114 : memref<128xf32, #tpu.memory_space<vmem>>)
    %dma_wait3A_120 = arith.constant 1 : i32
    %dma_wait3A_121 = arith.constant 128 : i32
    %dma_wait3A_122 = tpu.memref_slice %arg8[%dma_wait3A_121] : memref<768xf32, #tpu.memory_space<vmem>> -> memref<128xf32, #tpu.memory_space<vmem>>
    %dma_wait3A_123 = arith.constant 0 : i32
    %dma_wait3A_124 = tpu.memref_slice %arg6[%dma_wait3A_120, %dma_wait3A_123] : memref<6x128xi32, #tpu.memory_space<vmem>> -> memref<1x128xi32, #tpu.memory_space<vmem>>
    %dma_wait3A_125 = tpu.memref_squeeze %dma_wait3A_124 : memref<1x128xi32, #tpu.memory_space<vmem>> -> memref<128xi32, #tpu.memory_space<vmem>>
    %dma_wait3A_126 = arith.constant 0 : i32
    %dma_wait3A_127 = tpu.memref_slice %arg3[%dma_wait3A_126] : memref<24576xf32, #tpu.memory_space<hbm>> -> memref<24576xf32, #tpu.memory_space<hbm>>
    tpu.wait_indirect_dma semaphore(%arg20 : memref<!tpu.dma_semaphore, #tpu.memory_space<semaphore_mem>>) src(%dma_wait3A_127 : memref<24576xf32, #tpu.memory_space<hbm>>) dst(%dma_wait3A_122 : memref<128xf32, #tpu.memory_space<vmem>>)
    %dma_wait3A_128 = arith.constant 2 : i32
    %dma_wait3A_129 = arith.constant 256 : i32
    %dma_wait3A_130 = tpu.memref_slice %arg7[%dma_wait3A_129] : memref<768xf32, #tpu.memory_space<vmem>> -> memref<128xf32, #tpu.memory_space<vmem>>
    %dma_wait3A_131 = arith.constant 0 : i32
    %dma_wait3A_132 = tpu.memref_slice %arg6[%dma_wait3A_128, %dma_wait3A_131] : memref<6x128xi32, #tpu.memory_space<vmem>> -> memref<1x128xi32, #tpu.memory_space<vmem>>
    %dma_wait3A_133 = tpu.memref_squeeze %dma_wait3A_132 : memref<1x128xi32, #tpu.memory_space<vmem>> -> memref<128xi32, #tpu.memory_space<vmem>>
    %dma_wait3A_134 = arith.constant 0 : i32
    %dma_wait3A_135 = tpu.memref_slice %arg2[%dma_wait3A_134] : memref<24576xf32, #tpu.memory_space<hbm>> -> memref<24576xf32, #tpu.memory_space<hbm>>
    tpu.wait_indirect_dma semaphore(%arg20 : memref<!tpu.dma_semaphore, #tpu.memory_space<semaphore_mem>>) src(%dma_wait3A_135 : memref<24576xf32, #tpu.memory_space<hbm>>) dst(%dma_wait3A_130 : memref<128xf32, #tpu.memory_space<vmem>>)
    %dma_wait3A_136 = arith.constant 2 : i32
    %dma_wait3A_137 = arith.constant 256 : i32
    %dma_wait3A_138 = tpu.memref_slice %arg8[%dma_wait3A_137] : memref<768xf32, #tpu.memory_space<vmem>> -> memref<128xf32, #tpu.memory_space<vmem>>
    %dma_wait3A_139 = arith.constant 0 : i32
    %dma_wait3A_140 = tpu.memref_slice %arg6[%dma_wait3A_136, %dma_wait3A_139] : memref<6x128xi32, #tpu.memory_space<vmem>> -> memref<1x128xi32, #tpu.memory_space<vmem>>
    %dma_wait3A_141 = tpu.memref_squeeze %dma_wait3A_140 : memref<1x128xi32, #tpu.memory_space<vmem>> -> memref<128xi32, #tpu.memory_space<vmem>>
    %dma_wait3A_142 = arith.constant 0 : i32
    %dma_wait3A_143 = tpu.memref_slice %arg3[%dma_wait3A_142] : memref<24576xf32, #tpu.memory_space<hbm>> -> memref<24576xf32, #tpu.memory_space<hbm>>
    tpu.wait_indirect_dma semaphore(%arg20 : memref<!tpu.dma_semaphore, #tpu.memory_space<semaphore_mem>>) src(%dma_wait3A_143 : memref<24576xf32, #tpu.memory_space<hbm>>) dst(%dma_wait3A_138 : memref<128xf32, #tpu.memory_space<vmem>>)
    %dma_wait3A_144 = arith.constant 3 : i32
    %dma_wait3A_145 = arith.constant 384 : i32
    %dma_wait3A_146 = tpu.memref_slice %arg7[%dma_wait3A_145] : memref<768xf32, #tpu.memory_space<vmem>> -> memref<128xf32, #tpu.memory_space<vmem>>
    %dma_wait3A_147 = arith.constant 0 : i32
    %dma_wait3A_148 = tpu.memref_slice %arg6[%dma_wait3A_144, %dma_wait3A_147] : memref<6x128xi32, #tpu.memory_space<vmem>> -> memref<1x128xi32, #tpu.memory_space<vmem>>
    %dma_wait3A_149 = tpu.memref_squeeze %dma_wait3A_148 : memref<1x128xi32, #tpu.memory_space<vmem>> -> memref<128xi32, #tpu.memory_space<vmem>>
    %dma_wait3A_150 = arith.constant 0 : i32
    %dma_wait3A_151 = tpu.memref_slice %arg2[%dma_wait3A_150] : memref<24576xf32, #tpu.memory_space<hbm>> -> memref<24576xf32, #tpu.memory_space<hbm>>
    tpu.wait_indirect_dma semaphore(%arg20 : memref<!tpu.dma_semaphore, #tpu.memory_space<semaphore_mem>>) src(%dma_wait3A_151 : memref<24576xf32, #tpu.memory_space<hbm>>) dst(%dma_wait3A_146 : memref<128xf32, #tpu.memory_space<vmem>>)
    %dma_wait3A_152 = arith.constant 3 : i32
    %dma_wait3A_153 = arith.constant 384 : i32
    %dma_wait3A_154 = tpu.memref_slice %arg8[%dma_wait3A_153] : memref<768xf32, #tpu.memory_space<vmem>> -> memref<128xf32, #tpu.memory_space<vmem>>
    %dma_wait3A_155 = arith.constant 0 : i32
    %dma_wait3A_156 = tpu.memref_slice %arg6[%dma_wait3A_152, %dma_wait3A_155] : memref<6x128xi32, #tpu.memory_space<vmem>> -> memref<1x128xi32, #tpu.memory_space<vmem>>
    %dma_wait3A_157 = tpu.memref_squeeze %dma_wait3A_156 : memref<1x128xi32, #tpu.memory_space<vmem>> -> memref<128xi32, #tpu.memory_space<vmem>>
    %dma_wait3A_158 = arith.constant 0 : i32
    %dma_wait3A_159 = tpu.memref_slice %arg3[%dma_wait3A_158] : memref<24576xf32, #tpu.memory_space<hbm>> -> memref<24576xf32, #tpu.memory_space<hbm>>
    tpu.wait_indirect_dma semaphore(%arg20 : memref<!tpu.dma_semaphore, #tpu.memory_space<semaphore_mem>>) src(%dma_wait3A_159 : memref<24576xf32, #tpu.memory_space<hbm>>) dst(%dma_wait3A_154 : memref<128xf32, #tpu.memory_space<vmem>>)
    %dma_wait3A_160 = arith.constant 4 : i32
    %dma_wait3A_161 = arith.constant 512 : i32
    %dma_wait3A_162 = tpu.memref_slice %arg7[%dma_wait3A_161] : memref<768xf32, #tpu.memory_space<vmem>> -> memref<128xf32, #tpu.memory_space<vmem>>
    %dma_wait3A_163 = arith.constant 0 : i32
    %dma_wait3A_164 = tpu.memref_slice %arg6[%dma_wait3A_160, %dma_wait3A_163] : memref<6x128xi32, #tpu.memory_space<vmem>> -> memref<1x128xi32, #tpu.memory_space<vmem>>
    %dma_wait3A_165 = tpu.memref_squeeze %dma_wait3A_164 : memref<1x128xi32, #tpu.memory_space<vmem>> -> memref<128xi32, #tpu.memory_space<vmem>>
    %dma_wait3A_166 = arith.constant 0 : i32
    %dma_wait3A_167 = tpu.memref_slice %arg2[%dma_wait3A_166] : memref<24576xf32, #tpu.memory_space<hbm>> -> memref<24576xf32, #tpu.memory_space<hbm>>
    tpu.wait_indirect_dma semaphore(%arg20 : memref<!tpu.dma_semaphore, #tpu.memory_space<semaphore_mem>>) src(%dma_wait3A_167 : memref<24576xf32, #tpu.memory_space<hbm>>) dst(%dma_wait3A_162 : memref<128xf32, #tpu.memory_space<vmem>>)
    %dma_wait3A_168 = arith.constant 4 : i32
    %dma_wait3A_169 = arith.constant 512 : i32
    %dma_wait3A_170 = tpu.memref_slice %arg8[%dma_wait3A_169] : memref<768xf32, #tpu.memory_space<vmem>> -> memref<128xf32, #tpu.memory_space<vmem>>
    %dma_wait3A_171 = arith.constant 0 : i32
    %dma_wait3A_172 = tpu.memref_slice %arg6[%dma_wait3A_168, %dma_wait3A_171] : memref<6x128xi32, #tpu.memory_space<vmem>> -> memref<1x128xi32, #tpu.memory_space<vmem>>
    %dma_wait3A_173 = tpu.memref_squeeze %dma_wait3A_172 : memref<1x128xi32, #tpu.memory_space<vmem>> -> memref<128xi32, #tpu.memory_space<vmem>>
    %dma_wait3A_174 = arith.constant 0 : i32
    %dma_wait3A_175 = tpu.memref_slice %arg3[%dma_wait3A_174] : memref<24576xf32, #tpu.memory_space<hbm>> -> memref<24576xf32, #tpu.memory_space<hbm>>
    tpu.wait_indirect_dma semaphore(%arg20 : memref<!tpu.dma_semaphore, #tpu.memory_space<semaphore_mem>>) src(%dma_wait3A_175 : memref<24576xf32, #tpu.memory_space<hbm>>) dst(%dma_wait3A_170 : memref<128xf32, #tpu.memory_space<vmem>>)
    %dma_wait3A_176 = arith.constant 5 : i32
    %dma_wait3A_177 = arith.constant 640 : i32
    %dma_wait3A_178 = tpu.memref_slice %arg7[%dma_wait3A_177] : memref<768xf32, #tpu.memory_space<vmem>> -> memref<128xf32, #tpu.memory_space<vmem>>
    %dma_wait3A_179 = arith.constant 0 : i32
    %dma_wait3A_180 = tpu.memref_slice %arg6[%dma_wait3A_176, %dma_wait3A_179] : memref<6x128xi32, #tpu.memory_space<vmem>> -> memref<1x128xi32, #tpu.memory_space<vmem>>
    %dma_wait3A_181 = tpu.memref_squeeze %dma_wait3A_180 : memref<1x128xi32, #tpu.memory_space<vmem>> -> memref<128xi32, #tpu.memory_space<vmem>>
    %dma_wait3A_182 = arith.constant 0 : i32
    %dma_wait3A_183 = tpu.memref_slice %arg2[%dma_wait3A_182] : memref<24576xf32, #tpu.memory_space<hbm>> -> memref<24576xf32, #tpu.memory_space<hbm>>
    tpu.wait_indirect_dma semaphore(%arg20 : memref<!tpu.dma_semaphore, #tpu.memory_space<semaphore_mem>>) src(%dma_wait3A_183 : memref<24576xf32, #tpu.memory_space<hbm>>) dst(%dma_wait3A_178 : memref<128xf32, #tpu.memory_space<vmem>>)
    %dma_wait3A_184 = arith.constant 5 : i32
    %dma_wait3A_185 = arith.constant 640 : i32
    %dma_wait3A_186 = tpu.memref_slice %arg8[%dma_wait3A_185] : memref<768xf32, #tpu.memory_space<vmem>> -> memref<128xf32, #tpu.memory_space<vmem>>
    %dma_wait3A_187 = arith.constant 0 : i32
    %dma_wait3A_188 = tpu.memref_slice %arg6[%dma_wait3A_184, %dma_wait3A_187] : memref<6x128xi32, #tpu.memory_space<vmem>> -> memref<1x128xi32, #tpu.memory_space<vmem>>
    %dma_wait3A_189 = tpu.memref_squeeze %dma_wait3A_188 : memref<1x128xi32, #tpu.memory_space<vmem>> -> memref<128xi32, #tpu.memory_space<vmem>>
    %dma_wait3A_190 = arith.constant 0 : i32
    %dma_wait3A_191 = tpu.memref_slice %arg3[%dma_wait3A_190] : memref<24576xf32, #tpu.memory_space<hbm>> -> memref<24576xf32, #tpu.memory_space<hbm>>
    tpu.wait_indirect_dma semaphore(%arg20 : memref<!tpu.dma_semaphore, #tpu.memory_space<semaphore_mem>>) src(%dma_wait3A_191 : memref<24576xf32, #tpu.memory_space<hbm>>) dst(%dma_wait3A_186 : memref<128xf32, #tpu.memory_space<vmem>>)
    %scan3A = arith.constant 0 : i32
    %scan3A_192 = arith.constant 0 : i32
    %scan3A_193 = arith.constant 16 : i32
    %scan3A_194 = arith.addi %scan3A_192, %scan3A_193 : i32
    %scan3A_195 = arith.constant 1 : i32
    %scan3A_196 = scf.for %scan3A_206 = %scan3A_192 to %scan3A_194 step %scan3A_195 iter_args(%scan3A_207 = %scan3A) -> (i32)  : i32 {
      %mul3A_208 = arith.constant 16 : i32
      %mul3A_209 = arith.muli %arg1, %mul3A_208 : i32
      %add3A = arith.addi %mul3A_209, %scan3A_206 : i32
      %broadcast_in_dim3A = vector.broadcast %add3A : i32 to vector<16xi32>
      %gather3A = tpu.vector_load_idx %arg7[%broadcast_in_dim3A] : memref<768xf32, #tpu.memory_space<vmem>>[vector<16xi32>], vector<16xf32>,
      %add3A_210 = arith.constant 256 : i32
      %add3A_211 = vector.broadcast %add3A_210 : i32 to vector<16xi32>
      %add3A_212 = arith.addi %broadcast_in_dim3A, %add3A_211 : vector<16xi32>
      %gather3A_213 = tpu.vector_load_idx %arg7[%add3A_212] : memref<768xf32, #tpu.memory_space<vmem>>[vector<16xi32>], vector<16xf32>,
      %add3A_214 = arith.constant 512 : i32
      %add3A_215 = vector.broadcast %add3A_214 : i32 to vector<16xi32>
      %add3A_216 = arith.addi %broadcast_in_dim3A, %add3A_215 : vector<16xi32>
      %gather3A_217 = tpu.vector_load_idx %arg7[%add3A_216] : memref<768xf32, #tpu.memory_space<vmem>>[vector<16xi32>], vector<16xf32>,
      %broadcast_in_dim3A_218 = arith.constant 3.000000e+38 : f32
      %broadcast_in_dim3A_219 = vector.broadcast %broadcast_in_dim3A_218 : f32 to vector<16xf32>
      %broadcast_in_dim3A_220 = arith.constant 0 : i32
      %broadcast_in_dim3A_221 = vector.broadcast %broadcast_in_dim3A_220 : i32 to vector<16xi32>
      %scan3A_222 = arith.constant 0 : i32
      %scan3A_223 = arith.constant 16 : i32
      %scan3A_224 = arith.addi %scan3A_222, %scan3A_223 : i32
      %scan3A_225 = arith.constant 4 : i32
      %scan3A_226:2 = scf.for %scan3A_250 = %scan3A_222 to %scan3A_224 step %scan3A_225 iter_args(%scan3A_251 = %broadcast_in_dim3A_219, %scan3A_252 = %broadcast_in_dim3A_221) -> (vector<16xf32>, vector<16xi32>)  : i32 {
        %mul3A_253 = arith.constant 16 : i32
        %mul3A_254 = arith.muli %scan3A_250, %mul3A_253 : i32
        %get3A = arith.index_cast %mul3A_254 : i32 to index
        %get3A_255 = tpu.vector_load %arg8[%get3A] {strides = array<i32>} : memref<768xf32, #tpu.memory_space<vmem>>, vector<16xf32>,
        %add3A_256 = arith.constant 256 : i32
        %add3A_257 = arith.addi %mul3A_254, %add3A_256 : i32
        %get3A_258 = arith.index_cast %add3A_257 : i32 to index
        %get3A_259 = tpu.vector_load %arg8[%get3A_258] {strides = array<i32>} : memref<768xf32, #tpu.memory_space<vmem>>, vector<16xf32>,
        %add3A_260 = arith.constant 512 : i32
        %add3A_261 = arith.addi %mul3A_254, %add3A_260 : i32
        %get3A_262 = arith.index_cast %add3A_261 : i32 to index
        %get3A_263 = tpu.vector_load %arg8[%get3A_262] {strides = array<i32>} : memref<768xf32, #tpu.memory_space<vmem>>, vector<16xf32>,
        %sub3A = arith.subf %gather3A, %get3A_255 : vector<16xf32>
        %sub3A_264 = arith.subf %gather3A_213, %get3A_259 : vector<16xf32>
        %sub3A_265 = arith.subf %gather3A_217, %get3A_263 : vector<16xf32>
        %mul3A_266 = arith.mulf %sub3A, %sub3A : vector<16xf32>
        %mul3A_267 = arith.mulf %sub3A_264, %sub3A_264 : vector<16xf32>
        %add3A_268 = arith.addf %mul3A_266, %mul3A_267 : vector<16xf32>
        %mul3A_269 = arith.mulf %sub3A_265, %sub3A_265 : vector<16xf32>
        %add3A_270 = arith.addf %add3A_268, %mul3A_269 : vector<16xf32>
        %mul3A_271 = arith.constant 5.000000e-01 : f32
        %mul3A_272 = vector.broadcast %mul3A_271 : f32 to vector<16xf32>
        %mul3A_273 = arith.mulf %add3A_270, %mul3A_272 : vector<16xf32>
        %bitcast3A = vector.bitcast %add3A_270 : vector<16xf32> to vector<16xi32>
        %shift_right_logical3A = arith.constant 1 : i32
        %shift_right_logical3A_274 = vector.broadcast %shift_right_logical3A : i32 to vector<16xi32>
        %shift_right_logical3A_275 = arith.shrui %bitcast3A, %shift_right_logical3A_274 : vector<16xi32>
        %sub3A_276 = arith.constant 1597463007 : i32
        %sub3A_277 = vector.broadcast %sub3A_276 : i32 to vector<16xi32>
        %sub3A_278 = arith.subi %sub3A_277, %shift_right_logical3A_275 : vector<16xi32>
        %bitcast3A_279 = vector.bitcast %sub3A_278 : vector<16xi32> to vector<16xf32>
        %mul3A_280 = arith.mulf %mul3A_273, %bitcast3A_279 : vector<16xf32>
        %mul3A_281 = arith.mulf %mul3A_280, %bitcast3A_279 : vector<16xf32>
        %sub3A_282 = arith.constant 1.500000e+00 : f32
        %sub3A_283 = vector.broadcast %sub3A_282 : f32 to vector<16xf32>
        %sub3A_284 = arith.subf %sub3A_283, %mul3A_281 : vector<16xf32>
        %mul3A_285 = arith.mulf %bitcast3A_279, %sub3A_284 : vector<16xf32>
        %mul3A_286 = arith.mulf %mul3A_273, %mul3A_285 : vector<16xf32>
        %mul3A_287 = arith.mulf %mul3A_286, %mul3A_285 : vector<16xf32>
        %sub3A_288 = arith.constant 1.500000e+00 : f32
        %sub3A_289 = vector.broadcast %sub3A_288 : f32 to vector<16xf32>
        %sub3A_290 = arith.subf %sub3A_289, %mul3A_287 : vector<16xf32>
        %mul3A_291 = arith.mulf %mul3A_285, %sub3A_290 : vector<16xf32>
        %mul3A_292 = arith.mulf %mul3A_273, %mul3A_291 : vector<16xf32>
        %mul3A_293 = arith.mulf %mul3A_292, %mul3A_291 : vector<16xf32>
        %sub3A_294 = arith.constant 1.500000e+00 : f32
        %sub3A_295 = vector.broadcast %sub3A_294 : f32 to vector<16xf32>
        %sub3A_296 = arith.subf %sub3A_295, %mul3A_293 : vector<16xf32>
        %mul3A_297 = arith.mulf %mul3A_291, %sub3A_296 : vector<16xf32>
        %mul3A_298 = arith.mulf %add3A_270, %mul3A_297 : vector<16xf32>
        %mul3A_299 = arith.constant 256 : i32
        %mul3A_300 = arith.muli %scan3A_206, %mul3A_299 : i32
        %add3A_301 = arith.addi %mul3A_300, %mul3A_254 : i32
        %swap3A = arith.index_cast %add3A_301 : i32 to index
        %swap3A_302 = tpu.vector_load %arg9[%swap3A] {strides = array<i32>} : memref<4096xf32, #tpu.memory_space<vmem>>, vector<16xf32>,
        tpu.vector_store %arg9[%swap3A], %mul3A_298 {strides = array<i32>} : memref<4096xf32, #tpu.memory_space<vmem>>, vector<16xf32>,
        %lt3A = arith.cmpf olt, %mul3A_298, %scan3A_251 : vector<16xf32>
        %select_n3A_303 = arith.select %lt3A, %mul3A_298, %scan3A_251 : vector<16xi1>, vector<16xf32>
        %broadcast_in_dim3A_304 = vector.broadcast %scan3A_250 : i32 to vector<16xi32>
        %select_n3A_305 = arith.select %lt3A, %broadcast_in_dim3A_304, %scan3A_252 : vector<16xi1>, vector<16xi32>
        %scan3A_306 = arith.constant 1 : i32
        %scan3A_307 = arith.addi %scan3A_250, %scan3A_306 : i32
        %mul3A_308 = arith.constant 16 : i32
        %mul3A_309 = arith.muli %scan3A_307, %mul3A_308 : i32
        %get3A_310 = arith.index_cast %mul3A_309 : i32 to index
        %get3A_311 = tpu.vector_load %arg8[%get3A_310] {strides = array<i32>} : memref<768xf32, #tpu.memory_space<vmem>>, vector<16xf32>,
        %add3A_312 = arith.constant 256 : i32
        %add3A_313 = arith.addi %mul3A_309, %add3A_312 : i32
        %get3A_314 = arith.index_cast %add3A_313 : i32 to index
        %get3A_315 = tpu.vector_load %arg8[%get3A_314] {strides = array<i32>} : memref<768xf32, #tpu.memory_space<vmem>>, vector<16xf32>,
        %add3A_316 = arith.constant 512 : i32
        %add3A_317 = arith.addi %mul3A_309, %add3A_316 : i32
        %get3A_318 = arith.index_cast %add3A_317 : i32 to index
        %get3A_319 = tpu.vector_load %arg8[%get3A_318] {strides = array<i32>} : memref<768xf32, #tpu.memory_space<vmem>>, vector<16xf32>,
        %sub3A_320 = arith.subf %gather3A, %get3A_311 : vector<16xf32>
        %sub3A_321 = arith.subf %gather3A_213, %get3A_315 : vector<16xf32>
        %sub3A_322 = arith.subf %gather3A_217, %get3A_319 : vector<16xf32>
        %mul3A_323 = arith.mulf %sub3A_320, %sub3A_320 : vector<16xf32>
        %mul3A_324 = arith.mulf %sub3A_321, %sub3A_321 : vector<16xf32>
        %add3A_325 = arith.addf %mul3A_323, %mul3A_324 : vector<16xf32>
        %mul3A_326 = arith.mulf %sub3A_322, %sub3A_322 : vector<16xf32>
        %add3A_327 = arith.addf %add3A_325, %mul3A_326 : vector<16xf32>
        %mul3A_328 = arith.constant 5.000000e-01 : f32
        %mul3A_329 = vector.broadcast %mul3A_328 : f32 to vector<16xf32>
        %mul3A_330 = arith.mulf %add3A_327, %mul3A_329 : vector<16xf32>
        %bitcast3A_331 = vector.bitcast %add3A_327 : vector<16xf32> to vector<16xi32>
        %shift_right_logical3A_332 = arith.constant 1 : i32
        %shift_right_logical3A_333 = vector.broadcast %shift_right_logical3A_332 : i32 to vector<16xi32>
        %shift_right_logical3A_334 = arith.shrui %bitcast3A_331, %shift_right_logical3A_333 : vector<16xi32>
        %sub3A_335 = arith.constant 1597463007 : i32
        %sub3A_336 = vector.broadcast %sub3A_335 : i32 to vector<16xi32>
        %sub3A_337 = arith.subi %sub3A_336, %shift_right_logical3A_334 : vector<16xi32>
        %bitcast3A_338 = vector.bitcast %sub3A_337 : vector<16xi32> to vector<16xf32>
        %mul3A_339 = arith.mulf %mul3A_330, %bitcast3A_338 : vector<16xf32>
        %mul3A_340 = arith.mulf %mul3A_339, %bitcast3A_338 : vector<16xf32>
        %sub3A_341 = arith.constant 1.500000e+00 : f32
        %sub3A_342 = vector.broadcast %sub3A_341 : f32 to vector<16xf32>
        %sub3A_343 = arith.subf %sub3A_342, %mul3A_340 : vector<16xf32>
        %mul3A_344 = arith.mulf %bitcast3A_338, %sub3A_343 : vector<16xf32>
        %mul3A_345 = arith.mulf %mul3A_330, %mul3A_344 : vector<16xf32>
        %mul3A_346 = arith.mulf %mul3A_345, %mul3A_344 : vector<16xf32>
        %sub3A_347 = arith.constant 1.500000e+00 : f32
        %sub3A_348 = vector.broadcast %sub3A_347 : f32 to vector<16xf32>
        %sub3A_349 = arith.subf %sub3A_348, %mul3A_346 : vector<16xf32>
        %mul3A_350 = arith.mulf %mul3A_344, %sub3A_349 : vector<16xf32>
        %mul3A_351 = arith.mulf %mul3A_330, %mul3A_350 : vector<16xf32>
        %mul3A_352 = arith.mulf %mul3A_351, %mul3A_350 : vector<16xf32>
        %sub3A_353 = arith.constant 1.500000e+00 : f32
        %sub3A_354 = vector.broadcast %sub3A_353 : f32 to vector<16xf32>
        %sub3A_355 = arith.subf %sub3A_354, %mul3A_352 : vector<16xf32>
        %mul3A_356 = arith.mulf %mul3A_350, %sub3A_355 : vector<16xf32>
        %mul3A_357 = arith.mulf %add3A_327, %mul3A_356 : vector<16xf32>
        %mul3A_358 = arith.constant 256 : i32
        %mul3A_359 = arith.muli %scan3A_206, %mul3A_358 : i32
        %add3A_360 = arith.addi %mul3A_359, %mul3A_309 : i32
        %swap3A_361 = arith.index_cast %add3A_360 : i32 to index
        %swap3A_362 = tpu.vector_load %arg9[%swap3A_361] {strides = array<i32>} : memref<4096xf32, #tpu.memory_space<vmem>>, vector<16xf32>,
        tpu.vector_store %arg9[%swap3A_361], %mul3A_357 {strides = array<i32>} : memref<4096xf32, #tpu.memory_space<vmem>>, vector<16xf32>,
        %lt3A_363 = arith.cmpf olt, %mul3A_357, %select_n3A_303 : vector<16xf32>
        %select_n3A_364 = arith.select %lt3A_363, %mul3A_357, %select_n3A_303 : vector<16xi1>, vector<16xf32>
        %broadcast_in_dim3A_365 = vector.broadcast %scan3A_307 : i32 to vector<16xi32>
        %select_n3A_366 = arith.select %lt3A_363, %broadcast_in_dim3A_365, %select_n3A_305 : vector<16xi1>, vector<16xi32>
        %scan3A_367 = arith.constant 2 : i32
        %scan3A_368 = arith.addi %scan3A_250, %scan3A_367 : i32
        %mul3A_369 = arith.constant 16 : i32
        %mul3A_370 = arith.muli %scan3A_368, %mul3A_369 : i32
        %get3A_371 = arith.index_cast %mul3A_370 : i32 to index
        %get3A_372 = tpu.vector_load %arg8[%get3A_371] {strides = array<i32>} : memref<768xf32, #tpu.memory_space<vmem>>, vector<16xf32>,
        %add3A_373 = arith.constant 256 : i32
        %add3A_374 = arith.addi %mul3A_370, %add3A_373 : i32
        %get3A_375 = arith.index_cast %add3A_374 : i32 to index
        %get3A_376 = tpu.vector_load %arg8[%get3A_375] {strides = array<i32>} : memref<768xf32, #tpu.memory_space<vmem>>, vector<16xf32>,
        %add3A_377 = arith.constant 512 : i32
        %add3A_378 = arith.addi %mul3A_370, %add3A_377 : i32
        %get3A_379 = arith.index_cast %add3A_378 : i32 to index
        %get3A_380 = tpu.vector_load %arg8[%get3A_379] {strides = array<i32>} : memref<768xf32, #tpu.memory_space<vmem>>, vector<16xf32>,
        %sub3A_381 = arith.subf %gather3A, %get3A_372 : vector<16xf32>
        %sub3A_382 = arith.subf %gather3A_213, %get3A_376 : vector<16xf32>
        %sub3A_383 = arith.subf %gather3A_217, %get3A_380 : vector<16xf32>
        %mul3A_384 = arith.mulf %sub3A_381, %sub3A_381 : vector<16xf32>
        %mul3A_385 = arith.mulf %sub3A_382, %sub3A_382 : vector<16xf32>
        %add3A_386 = arith.addf %mul3A_384, %mul3A_385 : vector<16xf32>
        %mul3A_387 = arith.mulf %sub3A_383, %sub3A_383 : vector<16xf32>
        %add3A_388 = arith.addf %add3A_386, %mul3A_387 : vector<16xf32>
        %mul3A_389 = arith.constant 5.000000e-01 : f32
        %mul3A_390 = vector.broadcast %mul3A_389 : f32 to vector<16xf32>
        %mul3A_391 = arith.mulf %add3A_388, %mul3A_390 : vector<16xf32>
        %bitcast3A_392 = vector.bitcast %add3A_388 : vector<16xf32> to vector<16xi32>
        %shift_right_logical3A_393 = arith.constant 1 : i32
        %shift_right_logical3A_394 = vector.broadcast %shift_right_logical3A_393 : i32 to vector<16xi32>
        %shift_right_logical3A_395 = arith.shrui %bitcast3A_392, %shift_right_logical3A_394 : vector<16xi32>
        %sub3A_396 = arith.constant 1597463007 : i32
        %sub3A_397 = vector.broadcast %sub3A_396 : i32 to vector<16xi32>
        %sub3A_398 = arith.subi %sub3A_397, %shift_right_logical3A_395 : vector<16xi32>
        %bitcast3A_399 = vector.bitcast %sub3A_398 : vector<16xi32> to vector<16xf32>
        %mul3A_400 = arith.mulf %mul3A_391, %bitcast3A_399 : vector<16xf32>
        %mul3A_401 = arith.mulf %mul3A_400, %bitcast3A_399 : vector<16xf32>
        %sub3A_402 = arith.constant 1.500000e+00 : f32
        %sub3A_403 = vector.broadcast %sub3A_402 : f32 to vector<16xf32>
        %sub3A_404 = arith.subf %sub3A_403, %mul3A_401 : vector<16xf32>
        %mul3A_405 = arith.mulf %bitcast3A_399, %sub3A_404 : vector<16xf32>
        %mul3A_406 = arith.mulf %mul3A_391, %mul3A_405 : vector<16xf32>
        %mul3A_407 = arith.mulf %mul3A_406, %mul3A_405 : vector<16xf32>
        %sub3A_408 = arith.constant 1.500000e+00 : f32
        %sub3A_409 = vector.broadcast %sub3A_408 : f32 to vector<16xf32>
        %sub3A_410 = arith.subf %sub3A_409, %mul3A_407 : vector<16xf32>
        %mul3A_411 = arith.mulf %mul3A_405, %sub3A_410 : vector<16xf32>
        %mul3A_412 = arith.mulf %mul3A_391, %mul3A_411 : vector<16xf32>
        %mul3A_413 = arith.mulf %mul3A_412, %mul3A_411 : vector<16xf32>
        %sub3A_414 = arith.constant 1.500000e+00 : f32
        %sub3A_415 = vector.broadcast %sub3A_414 : f32 to vector<16xf32>
        %sub3A_416 = arith.subf %sub3A_415, %mul3A_413 : vector<16xf32>
        %mul3A_417 = arith.mulf %mul3A_411, %sub3A_416 : vector<16xf32>
        %mul3A_418 = arith.mulf %add3A_388, %mul3A_417 : vector<16xf32>
        %mul3A_419 = arith.constant 256 : i32
        %mul3A_420 = arith.muli %scan3A_206, %mul3A_419 : i32
        %add3A_421 = arith.addi %mul3A_420, %mul3A_370 : i32
        %swap3A_422 = arith.index_cast %add3A_421 : i32 to index
        %swap3A_423 = tpu.vector_load %arg9[%swap3A_422] {strides = array<i32>} : memref<4096xf32, #tpu.memory_space<vmem>>, vector<16xf32>,
        tpu.vector_store %arg9[%swap3A_422], %mul3A_418 {strides = array<i32>} : memref<4096xf32, #tpu.memory_space<vmem>>, vector<16xf32>,
        %lt3A_424 = arith.cmpf olt, %mul3A_418, %select_n3A_364 : vector<16xf32>
        %select_n3A_425 = arith.select %lt3A_424, %mul3A_418, %select_n3A_364 : vector<16xi1>, vector<16xf32>
        %broadcast_in_dim3A_426 = vector.broadcast %scan3A_368 : i32 to vector<16xi32>
        %select_n3A_427 = arith.select %lt3A_424, %broadcast_in_dim3A_426, %select_n3A_366 : vector<16xi1>, vector<16xi32>
        %scan3A_428 = arith.constant 3 : i32
        %scan3A_429 = arith.addi %scan3A_250, %scan3A_428 : i32
        %mul3A_430 = arith.constant 16 : i32
        %mul3A_431 = arith.muli %scan3A_429, %mul3A_430 : i32
        %get3A_432 = arith.index_cast %mul3A_431 : i32 to index
        %get3A_433 = tpu.vector_load %arg8[%get3A_432] {strides = array<i32>} : memref<768xf32, #tpu.memory_space<vmem>>, vector<16xf32>,
        %add3A_434 = arith.constant 256 : i32
        %add3A_435 = arith.addi %mul3A_431, %add3A_434 : i32
        %get3A_436 = arith.index_cast %add3A_435 : i32 to index
        %get3A_437 = tpu.vector_load %arg8[%get3A_436] {strides = array<i32>} : memref<768xf32, #tpu.memory_space<vmem>>, vector<16xf32>,
        %add3A_438 = arith.constant 512 : i32
        %add3A_439 = arith.addi %mul3A_431, %add3A_438 : i32
        %get3A_440 = arith.index_cast %add3A_439 : i32 to index
        %get3A_441 = tpu.vector_load %arg8[%get3A_440] {strides = array<i32>} : memref<768xf32, #tpu.memory_space<vmem>>, vector<16xf32>,
        %sub3A_442 = arith.subf %gather3A, %get3A_433 : vector<16xf32>
        %sub3A_443 = arith.subf %gather3A_213, %get3A_437 : vector<16xf32>
        %sub3A_444 = arith.subf %gather3A_217, %get3A_441 : vector<16xf32>
        %mul3A_445 = arith.mulf %sub3A_442, %sub3A_442 : vector<16xf32>
        %mul3A_446 = arith.mulf %sub3A_443, %sub3A_443 : vector<16xf32>
        %add3A_447 = arith.addf %mul3A_445, %mul3A_446 : vector<16xf32>
        %mul3A_448 = arith.mulf %sub3A_444, %sub3A_444 : vector<16xf32>
        %add3A_449 = arith.addf %add3A_447, %mul3A_448 : vector<16xf32>
        %mul3A_450 = arith.constant 5.000000e-01 : f32
        %mul3A_451 = vector.broadcast %mul3A_450 : f32 to vector<16xf32>
        %mul3A_452 = arith.mulf %add3A_449, %mul3A_451 : vector<16xf32>
        %bitcast3A_453 = vector.bitcast %add3A_449 : vector<16xf32> to vector<16xi32>
        %shift_right_logical3A_454 = arith.constant 1 : i32
        %shift_right_logical3A_455 = vector.broadcast %shift_right_logical3A_454 : i32 to vector<16xi32>
        %shift_right_logical3A_456 = arith.shrui %bitcast3A_453, %shift_right_logical3A_455 : vector<16xi32>
        %sub3A_457 = arith.constant 1597463007 : i32
        %sub3A_458 = vector.broadcast %sub3A_457 : i32 to vector<16xi32>
        %sub3A_459 = arith.subi %sub3A_458, %shift_right_logical3A_456 : vector<16xi32>
        %bitcast3A_460 = vector.bitcast %sub3A_459 : vector<16xi32> to vector<16xf32>
        %mul3A_461 = arith.mulf %mul3A_452, %bitcast3A_460 : vector<16xf32>
        %mul3A_462 = arith.mulf %mul3A_461, %bitcast3A_460 : vector<16xf32>
        %sub3A_463 = arith.constant 1.500000e+00 : f32
        %sub3A_464 = vector.broadcast %sub3A_463 : f32 to vector<16xf32>
        %sub3A_465 = arith.subf %sub3A_464, %mul3A_462 : vector<16xf32>
        %mul3A_466 = arith.mulf %bitcast3A_460, %sub3A_465 : vector<16xf32>
        %mul3A_467 = arith.mulf %mul3A_452, %mul3A_466 : vector<16xf32>
        %mul3A_468 = arith.mulf %mul3A_467, %mul3A_466 : vector<16xf32>
        %sub3A_469 = arith.constant 1.500000e+00 : f32
        %sub3A_470 = vector.broadcast %sub3A_469 : f32 to vector<16xf32>
        %sub3A_471 = arith.subf %sub3A_470, %mul3A_468 : vector<16xf32>
        %mul3A_472 = arith.mulf %mul3A_466, %sub3A_471 : vector<16xf32>
        %mul3A_473 = arith.mulf %mul3A_452, %mul3A_472 : vector<16xf32>
        %mul3A_474 = arith.mulf %mul3A_473, %mul3A_472 : vector<16xf32>
        %sub3A_475 = arith.constant 1.500000e+00 : f32
        %sub3A_476 = vector.broadcast %sub3A_475 : f32 to vector<16xf32>
        %sub3A_477 = arith.subf %sub3A_476, %mul3A_474 : vector<16xf32>
        %mul3A_478 = arith.mulf %mul3A_472, %sub3A_477 : vector<16xf32>
        %mul3A_479 = arith.mulf %add3A_449, %mul3A_478 : vector<16xf32>
        %mul3A_480 = arith.constant 256 : i32
        %mul3A_481 = arith.muli %scan3A_206, %mul3A_480 : i32
        %add3A_482 = arith.addi %mul3A_481, %mul3A_431 : i32
        %swap3A_483 = arith.index_cast %add3A_482 : i32 to index
        %swap3A_484 = tpu.vector_load %arg9[%swap3A_483] {strides = array<i32>} : memref<4096xf32, #tpu.memory_space<vmem>>, vector<16xf32>,
        tpu.vector_store %arg9[%swap3A_483], %mul3A_479 {strides = array<i32>} : memref<4096xf32, #tpu.memory_space<vmem>>, vector<16xf32>,
        %lt3A_485 = arith.cmpf olt, %mul3A_479, %select_n3A_425 : vector<16xf32>
        %select_n3A_486 = arith.select %lt3A_485, %mul3A_479, %select_n3A_425 : vector<16xi1>, vector<16xf32>
        %broadcast_in_dim3A_487 = vector.broadcast %scan3A_429 : i32 to vector<16xi32>
        %select_n3A_488 = arith.select %lt3A_485, %broadcast_in_dim3A_487, %select_n3A_427 : vector<16xi1>, vector<16xi32>
        scf.yield %select_n3A_486, %select_n3A_488 : vector<16xf32>, vector<16xi32>
      }
      %scan3A_227 = arith.constant 16 : i32
      %reduce_min3A = arith.constant true
      %reduce_min3A_228 = vector.broadcast %reduce_min3A : i1 to vector<16xi1>
      %reduce_min3A_229 = tpu.scan <min>, %scan3A_226#0 masked %reduce_min3A_228 : vector<16xf32>, vector<16xi1> -> vector<16xf32>
      %reduce_min3A_230 = vector.extract %reduce_min3A_229[15] : f32 from vector<16xf32>
      %eq3A_231 = vector.broadcast %reduce_min3A_230 : f32 to vector<16xf32>
      %eq3A_232 = arith.cmpf oeq, %scan3A_226#0, %eq3A_231 : vector<16xf32>
      %mul3A_233 = arith.constant 16 : i32
      %mul3A_234 = vector.broadcast %mul3A_233 : i32 to vector<16xi32>
      %mul3A_235 = arith.muli %scan3A_226#1, %mul3A_234 : vector<16xi32>
      %add3A_236 = arith.addi %mul3A_235, %iota3A : vector<16xi32>
      %jit3A = arith.constant 1073741824 : i32
      %broadcast_in_dim3A_237 = vector.broadcast %jit3A : i32 to vector<16xi32>
      %select_n3A = arith.select %eq3A_232, %add3A_236, %broadcast_in_dim3A_237 : vector<16xi1>, vector<16xi32>
      %reduce_min3A_238 = arith.constant true
      %reduce_min3A_239 = vector.broadcast %reduce_min3A_238 : i1 to vector<16xi1>
      %reduce_min3A_240 = arith.constant -2147483648 : i32
      %reduce_min3A_241 = vector.broadcast %reduce_min3A_240 : i32 to vector<16xi32>
      %reduce_min3A_242 = arith.xori %select_n3A, %reduce_min3A_241 : vector<16xi32>
      %reduce_min3A_243 = tpu.scan <min>, %reduce_min3A_242 masked %reduce_min3A_239 : vector<16xi32>, vector<16xi1> -> vector<16xi32>
      %reduce_min3A_244 = arith.xori %reduce_min3A_243, %reduce_min3A_241 : vector<16xi32>
      %reduce_min3A_245 = vector.extract %reduce_min3A_244[15] : i32 from vector<16xi32>
      %broadcast_in_dim3A_246 = vector.broadcast %scan3A_206 : i32 to vector<16xi32>
      %broadcast_in_dim3A_247 = vector.broadcast %reduce_min3A_230 : f32 to vector<16xf32>
      tpu.vector_store_idx %arg10[%broadcast_in_dim3A_246], %broadcast_in_dim3A_247 masked %eq3A_1 : memref<16xf32, #tpu.memory_space<vmem>>[vector<16xi32>], vector<16xf32>, vector<16xi1>
      %broadcast_in_dim3A_248 = vector.broadcast %reduce_min3A_245 : i32 to vector<16xi32>
      tpu.vector_store_idx %arg11[%broadcast_in_dim3A_246], %broadcast_in_dim3A_248 masked %eq3A_1 : memref<16xi32, #tpu.memory_space<vmem>>[vector<16xi32>], vector<16xi32>, vector<16xi1>
      %scan3A_249 = arith.constant 0 : i32
      scf.yield %scan3A_249 : i32
    }
    %scan3A_197 = arith.constant 16 : i32
    %mul3A = arith.constant 4096 : i32
    %mul3A_198 = arith.muli %arg1, %mul3A : i32
    "tpu.region"() ({
      %run_scoped3A = tpu.sem_alloc : memref<!tpu.dma_semaphore, #tpu.memory_space<semaphore_mem>>
      %dma_start3A_206 = tpu.memref_slice %arg17[%mul3A_198] : memref<65536xf32, #tpu.memory_space<vmem_shared>> -> memref<4096xf32, #tpu.memory_space<vmem_shared>>
      %dma_start3A_207 = tpu.memref_slice %arg17[%mul3A_198] : memref<65536xf32, #tpu.memory_space<vmem_shared>> -> memref<4096xf32, #tpu.memory_space<vmem_shared>>
      tpu.enqueue_dma source(%arg9 : memref<4096xf32, #tpu.memory_space<vmem>>) target(%dma_start3A_207 : memref<4096xf32, #tpu.memory_space<vmem_shared>>) target_semaphore(%run_scoped3A : memref<!tpu.dma_semaphore, #tpu.memory_space<semaphore_mem>>)
      %dma_wait3A_208 = tpu.memref_slice %arg17[%mul3A_198] : memref<65536xf32, #tpu.memory_space<vmem_shared>> -> memref<4096xf32, #tpu.memory_space<vmem_shared>>
      %dma_wait3A_209 = tpu.memref_slice %arg17[%mul3A_198] : memref<65536xf32, #tpu.memory_space<vmem_shared>> -> memref<4096xf32, #tpu.memory_space<vmem_shared>>
      tpu.wait_dma2 semaphore(%run_scoped3A : memref<!tpu.dma_semaphore, #tpu.memory_space<semaphore_mem>>) src(%arg9 : memref<4096xf32, #tpu.memory_space<vmem>>) dst(%dma_wait3A_209 : memref<4096xf32, #tpu.memory_space<vmem_shared>>)
      tpu.yield
    }) : () -> ()
    %mul3A_199 = arith.constant 16 : i32
    %mul3A_200 = arith.muli %arg1, %mul3A_199 : i32
    "tpu.region"() ({
      %run_scoped3A = tpu.sem_alloc : memref<!tpu.dma_semaphore, #tpu.memory_space<semaphore_mem>>
      %dma_start3A_206 = tpu.memref_slice %arg18[%mul3A_200] : memref<256xf32, #tpu.memory_space<vmem_shared>> -> memref<16xf32, #tpu.memory_space<vmem_shared>>
      %dma_start3A_207 = tpu.memref_slice %arg18[%mul3A_200] : memref<256xf32, #tpu.memory_space<vmem_shared>> -> memref<16xf32, #tpu.memory_space<vmem_shared>>
      tpu.enqueue_dma source(%arg10 : memref<16xf32, #tpu.memory_space<vmem>>) target(%dma_start3A_207 : memref<16xf32, #tpu.memory_space<vmem_shared>>) target_semaphore(%run_scoped3A : memref<!tpu.dma_semaphore, #tpu.memory_space<semaphore_mem>>)
      %dma_wait3A_208 = tpu.memref_slice %arg18[%mul3A_200] : memref<256xf32, #tpu.memory_space<vmem_shared>> -> memref<16xf32, #tpu.memory_space<vmem_shared>>
      %dma_wait3A_209 = tpu.memref_slice %arg18[%mul3A_200] : memref<256xf32, #tpu.memory_space<vmem_shared>> -> memref<16xf32, #tpu.memory_space<vmem_shared>>
      tpu.wait_dma2 semaphore(%run_scoped3A : memref<!tpu.dma_semaphore, #tpu.memory_space<semaphore_mem>>) src(%arg10 : memref<16xf32, #tpu.memory_space<vmem>>) dst(%dma_wait3A_209 : memref<16xf32, #tpu.memory_space<vmem_shared>>)
      tpu.yield
    }) : () -> ()
    %mul3A_201 = arith.constant 16 : i32
    %mul3A_202 = arith.muli %arg1, %mul3A_201 : i32
    "tpu.region"() ({
      %run_scoped3A = tpu.sem_alloc : memref<!tpu.dma_semaphore, #tpu.memory_space<semaphore_mem>>
      %dma_start3A_206 = tpu.memref_slice %arg19[%mul3A_202] : memref<256xi32, #tpu.memory_space<vmem_shared>> -> memref<16xi32, #tpu.memory_space<vmem_shared>>
      %dma_start3A_207 = tpu.memref_slice %arg19[%mul3A_202] : memref<256xi32, #tpu.memory_space<vmem_shared>> -> memref<16xi32, #tpu.memory_space<vmem_shared>>
      tpu.enqueue_dma source(%arg11 : memref<16xi32, #tpu.memory_space<vmem>>) target(%dma_start3A_207 : memref<16xi32, #tpu.memory_space<vmem_shared>>) target_semaphore(%run_scoped3A : memref<!tpu.dma_semaphore, #tpu.memory_space<semaphore_mem>>)
      %dma_wait3A_208 = tpu.memref_slice %arg19[%mul3A_202] : memref<256xi32, #tpu.memory_space<vmem_shared>> -> memref<16xi32, #tpu.memory_space<vmem_shared>>
      %dma_wait3A_209 = tpu.memref_slice %arg19[%mul3A_202] : memref<256xi32, #tpu.memory_space<vmem_shared>> -> memref<16xi32, #tpu.memory_space<vmem_shared>>
      tpu.wait_dma2 semaphore(%run_scoped3A : memref<!tpu.dma_semaphore, #tpu.memory_space<semaphore_mem>>) src(%arg11 : memref<16xi32, #tpu.memory_space<vmem>>) dst(%dma_wait3A_209 : memref<16xi32, #tpu.memory_space<vmem_shared>>)
      tpu.yield
    }) : () -> ()
    %barrier3A = arith.constant 0 : index
    tpu.barrier barrier_id(%barrier3A)
    %eq3A_203 = arith.constant 0 : i32
    %eq3A_204 = arith.cmpi eq, %arg1, %eq3A_203 : i32
    %convert_element_type3A = arith.extui %eq3A_204 : i1 to i32
    %cond3A = arith.constant 0 : i32
    %cond3A_205 = arith.cmpi ne, %convert_element_type3A, %cond3A : i32
    scf.if %cond3A_205 {
      tpu.enqueue_dma source(%arg17 : memref<65536xf32, #tpu.memory_space<vmem_shared>>) target(%arg12 : memref<65536xf32, #tpu.memory_space<vmem>>) target_semaphore(%arg20 : memref<!tpu.dma_semaphore, #tpu.memory_space<semaphore_mem>>)
      "tpu.region"() ({
        %run_scoped3A = tpu.sem_alloc : memref<!tpu.dma_semaphore, #tpu.memory_space<semaphore_mem>>
        tpu.enqueue_dma source(%arg18 : memref<256xf32, #tpu.memory_space<vmem_shared>>) target(%arg13 : memref<256xf32, #tpu.memory_space<vmem>>) target_semaphore(%run_scoped3A : memref<!tpu.dma_semaphore, #tpu.memory_space<semaphore_mem>>)
        tpu.wait_dma2 semaphore(%run_scoped3A : memref<!tpu.dma_semaphore, #tpu.memory_space<semaphore_mem>>) src(%arg18 : memref<256xf32, #tpu.memory_space<vmem_shared>>) dst(%arg13 : memref<256xf32, #tpu.memory_space<vmem>>)
        tpu.yield
      }) : () -> ()
      "tpu.region"() ({
        %run_scoped3A = tpu.sem_alloc : memref<!tpu.dma_semaphore, #tpu.memory_space<semaphore_mem>>
        tpu.enqueue_dma source(%arg19 : memref<256xi32, #tpu.memory_space<vmem_shared>>) target(%arg14 : memref<256xi32, #tpu.memory_space<vmem>>) target_semaphore(%run_scoped3A : memref<!tpu.dma_semaphore, #tpu.memory_space<semaphore_mem>>)
        tpu.wait_dma2 semaphore(%run_scoped3A : memref<!tpu.dma_semaphore, #tpu.memory_space<semaphore_mem>>) src(%arg19 : memref<256xi32, #tpu.memory_space<vmem_shared>>) dst(%arg14 : memref<256xi32, #tpu.memory_space<vmem>>)
        tpu.yield
      }) : () -> ()
      %broadcast_in_dim3A = arith.constant 0.000000e+00 : f32
      %broadcast_in_dim3A_206 = vector.broadcast %broadcast_in_dim3A : f32 to vector<16xf32>
      %broadcast_in_dim3A_207 = arith.constant 3.000000e+38 : f32
      %broadcast_in_dim3A_208 = vector.broadcast %broadcast_in_dim3A_207 : f32 to vector<16xf32>
      %scan3A_209 = arith.constant 0 : i32
      %scan3A_210 = arith.constant 16 : i32
      %scan3A_211 = arith.addi %scan3A_209, %scan3A_210 : i32
      %scan3A_212 = arith.constant 1 : i32
      %scan3A_213 = scf.for %scan3A_219 = %scan3A_209 to %scan3A_211 step %scan3A_212 iter_args(%scan3A_220 = %broadcast_in_dim3A_208) -> (vector<16xf32>)  : i32 {
        %mul3A_221 = arith.constant 16 : i32
        %mul3A_222 = arith.muli %scan3A_219, %mul3A_221 : i32
        %swap3A_223 = arith.index_cast %mul3A_222 : i32 to index
        %swap3A_224 = tpu.vector_load %arg15[%swap3A_223] {strides = array<i32>} : memref<256xf32, #tpu.memory_space<vmem>>, vector<16xf32>,
        tpu.vector_store %arg15[%swap3A_223], %broadcast_in_dim3A_206 {strides = array<i32>} : memref<256xf32, #tpu.memory_space<vmem>>, vector<16xf32>,
        %mul3A_225 = arith.constant 16 : i32
        %mul3A_226 = arith.muli %scan3A_219, %mul3A_225 : i32
        %get3A = arith.index_cast %mul3A_226 : i32 to index
        %get3A_227 = tpu.vector_load %arg13[%get3A] {strides = array<i32>} : memref<256xf32, #tpu.memory_space<vmem>>, vector<16xf32>,
        %reduce_min3A = arith.constant true
        %reduce_min3A_228 = vector.broadcast %reduce_min3A : i1 to vector<16xi1>
        %reduce_min3A_229 = tpu.scan <min>, %get3A_227 masked %reduce_min3A_228 : vector<16xf32>, vector<16xi1> -> vector<16xf32>
        %reduce_min3A_230 = vector.extract %reduce_min3A_229[15] : f32 from vector<16xf32>
        %eq3A_231 = vector.broadcast %scan3A_219 : i32 to vector<16xi32>
        %eq3A_232 = arith.cmpi eq, %iota3A, %eq3A_231 : vector<16xi32>
        %broadcast_in_dim3A_233 = vector.broadcast %reduce_min3A_230 : f32 to vector<16xf32>
        %select_n3A = arith.select %eq3A_232, %broadcast_in_dim3A_233, %scan3A_220 : vector<16xi1>, vector<16xf32>
        scf.yield %select_n3A : vector<16xf32>
      }
      %scan3A_214 = arith.constant 16 : i32
      tpu.wait_dma2 semaphore(%arg20 : memref<!tpu.dma_semaphore, #tpu.memory_space<semaphore_mem>>) src(%arg17 : memref<65536xf32, #tpu.memory_space<vmem_shared>>) dst(%arg12 : memref<65536xf32, #tpu.memory_space<vmem>>)
      %while3A = arith.constant 0 : i32
      %while3A_215 = arith.constant 0.000000e+00 : f32
      %while3A_216:3 = scf.while (%while3A_219 = %while3A, %while3A_220 = %while3A_215, %while3A_221 = %scan3A_213) : (i32, f32, vector<16xf32>) -> (i32, f32, vector<16xf32>) {
        %lt3A = arith.constant 256 : i32
        %lt3A_222 = arith.cmpi slt, %while3A_219, %lt3A : i32
        scf.condition(%lt3A_222) %while3A_219, %while3A_220, %while3A_221 : i32, f32, vector<16xf32>
      } do {
      ^bb0(%while3A_219: i32, %while3A_220: f32, %while3A_221: vector<16xf32>):
        %reduce_min3A = arith.constant true
        %reduce_min3A_222 = vector.broadcast %reduce_min3A : i1 to vector<16xi1>
        %reduce_min3A_223 = tpu.scan <min>, %while3A_221 masked %reduce_min3A_222 : vector<16xf32>, vector<16xi1> -> vector<16xf32>
        %reduce_min3A_224 = vector.extract %reduce_min3A_223[15] : f32 from vector<16xf32>
        %eq3A_225 = vector.broadcast %reduce_min3A_224 : f32 to vector<16xf32>
        %eq3A_226 = arith.cmpf oeq, %while3A_221, %eq3A_225 : vector<16xf32>
        %all_reduce_ffs3A = tpu.all_reduce %eq3A_226 {dim = 0 : i64, kind = #tpu.reduction_kind<find_first_set>} : vector<16xi1> -> vector<16xi32>
        %slice3A = vector.extract_strided_slice %all_reduce_ffs3A {offsets = [0], sizes = [1], strides = [1]} : vector<16xi32> to vector<1xi32>
        %squeeze3A = vector.extract %slice3A[0] : i32 from vector<1xi32>
        %mul3A_227 = arith.constant 16 : i32
        %mul3A_228 = arith.muli %squeeze3A, %mul3A_227 : i32
        %get3A = arith.index_cast %mul3A_228 : i32 to index
        %get3A_229 = tpu.vector_load %arg13[%get3A] {strides = array<i32>} : memref<256xf32, #tpu.memory_space<vmem>>, vector<16xf32>,
        %eq3A_230 = vector.broadcast %reduce_min3A_224 : f32 to vector<16xf32>
        %eq3A_231 = arith.cmpf oeq, %get3A_229, %eq3A_230 : vector<16xf32>
        %all_reduce_ffs3A_232 = tpu.all_reduce %eq3A_231 {dim = 0 : i64, kind = #tpu.reduction_kind<find_first_set>} : vector<16xi1> -> vector<16xi32>
        %slice3A_233 = vector.extract_strided_slice %all_reduce_ffs3A_232 {offsets = [0], sizes = [1], strides = [1]} : vector<16xi32> to vector<1xi32>
        %squeeze3A_234 = vector.extract %slice3A_233[0] : i32 from vector<1xi32>
        %mul3A_235 = arith.constant 16 : i32
        %mul3A_236 = arith.muli %squeeze3A, %mul3A_235 : i32
        %add3A = arith.addi %mul3A_236, %squeeze3A_234 : i32
        %broadcast_in_dim3A_237 = vector.broadcast %add3A : i32 to vector<16xi32>
        %gather3A = tpu.vector_load_idx %arg14[%broadcast_in_dim3A_237] : memref<256xi32, #tpu.memory_space<vmem>>[vector<16xi32>], vector<16xi32>,
        %gather3A_238 = tpu.vector_load_idx %arg15[%gather3A] : memref<256xf32, #tpu.memory_space<vmem>>[vector<16xi32>], vector<16xf32>,
        %slice3A_239 = vector.extract_strided_slice %gather3A_238 {offsets = [0], sizes = [1], strides = [1]} : vector<16xf32> to vector<1xf32>
        %squeeze3A_240 = vector.extract %slice3A_239[0] : f32 from vector<1xf32>
        %eq3A_241 = arith.constant 0.000000e+00 : f32
        %eq3A_242 = arith.cmpf oeq, %squeeze3A_240, %eq3A_241 : f32
        %convert_element_type3A_243 = arith.extui %eq3A_242 : i1 to i32
        %cond3A_244 = arith.constant 0 : i32
        %cond3A_245 = arith.cmpi ne, %convert_element_type3A_243, %cond3A_244 : i32
        %cond3A_246:3 = scf.if %cond3A_245 -> (i32, f32, vector<16xf32>) {
          %broadcast_in_dim3A_247 = arith.constant 3.000000e+38 : f32
          %broadcast_in_dim3A_248 = vector.broadcast %broadcast_in_dim3A_247 : f32 to vector<16xf32>
          tpu.vector_store_idx %arg13[%broadcast_in_dim3A_237], %broadcast_in_dim3A_248 masked %eq3A_1 : memref<256xf32, #tpu.memory_space<vmem>>[vector<16xi32>], vector<16xf32>, vector<16xi1>
          %broadcast_in_dim3A_249 = arith.constant 3.000000e+38 : f32
          %broadcast_in_dim3A_250 = vector.broadcast %broadcast_in_dim3A_249 : f32 to vector<16xf32>
          tpu.vector_store_idx %arg15[%gather3A], %broadcast_in_dim3A_250 masked %eq3A_1 : memref<256xf32, #tpu.memory_space<vmem>>[vector<16xi32>], vector<16xf32>, vector<16xi1>
          %eq3A_251 = vector.broadcast %squeeze3A_234 : i32 to vector<16xi32>
          %eq3A_252 = arith.cmpi eq, %iota3A, %eq3A_251 : vector<16xi32>
          %jit3A = arith.constant 3.000000e+38 : f32
          %broadcast_in_dim3A_253 = vector.broadcast %jit3A : f32 to vector<16xf32>
          %select_n3A = arith.select %eq3A_252, %broadcast_in_dim3A_253, %get3A_229 : vector<16xi1>, vector<16xf32>
          %reduce_min3A_254 = arith.constant true
          %reduce_min3A_255 = vector.broadcast %reduce_min3A_254 : i1 to vector<16xi1>
          %reduce_min3A_256 = tpu.scan <min>, %select_n3A masked %reduce_min3A_255 : vector<16xf32>, vector<16xi1> -> vector<16xf32>
          %reduce_min3A_257 = vector.extract %reduce_min3A_256[15] : f32 from vector<16xf32>
          %eq3A_258 = vector.broadcast %squeeze3A : i32 to vector<16xi32>
          %eq3A_259 = arith.cmpi eq, %iota3A, %eq3A_258 : vector<16xi32>
          %broadcast_in_dim3A_260 = vector.broadcast %reduce_min3A_257 : f32 to vector<16xf32>
          %select_n3A_261 = arith.select %eq3A_259, %broadcast_in_dim3A_260, %while3A_221 : vector<16xi1>, vector<16xf32>
          %add3A_262 = arith.constant 1 : i32
          %add3A_263 = arith.addi %while3A_219, %add3A_262 : i32
          %add3A_264 = arith.addf %while3A_220, %reduce_min3A_224 : f32
          scf.yield %add3A_263, %add3A_264, %select_n3A_261 : i32, f32, vector<16xf32>
        } else {
          %broadcast_in_dim3A_247 = arith.constant 3.000000e+38 : f32
          %broadcast_in_dim3A_248 = vector.broadcast %broadcast_in_dim3A_247 : f32 to vector<16xf32>
          %broadcast_in_dim3A_249 = arith.constant 0 : i32
          %broadcast_in_dim3A_250 = vector.broadcast %broadcast_in_dim3A_249 : i32 to vector<16xi32>
          %scan3A_251 = arith.constant 0 : i32
          %scan3A_252 = arith.constant 16 : i32
          %scan3A_253 = arith.addi %scan3A_251, %scan3A_252 : i32
          %scan3A_254 = arith.constant 4 : i32
          %scan3A_255:2 = scf.for %scan3A_290 = %scan3A_251 to %scan3A_253 step %scan3A_254 iter_args(%scan3A_291 = %broadcast_in_dim3A_248, %scan3A_292 = %broadcast_in_dim3A_250) -> (vector<16xf32>, vector<16xi32>)  : i32 {
            %mul3A_293 = arith.constant 256 : i32
            %mul3A_294 = arith.muli %add3A, %mul3A_293 : i32
            %mul3A_295 = arith.constant 16 : i32
            %mul3A_296 = arith.muli %scan3A_290, %mul3A_295 : i32
            %add3A_297 = arith.addi %mul3A_294, %mul3A_296 : i32
            %get3A_298 = arith.index_cast %add3A_297 : i32 to index
            %get3A_299 = tpu.vector_load %arg12[%get3A_298] {strides = array<i32>} : memref<65536xf32, #tpu.memory_space<vmem>>, vector<16xf32>,
            %mul3A_300 = arith.constant 16 : i32
            %mul3A_301 = arith.muli %scan3A_290, %mul3A_300 : i32
            %get3A_302 = arith.index_cast %mul3A_301 : i32 to index
            %get3A_303 = tpu.vector_load %arg15[%get3A_302] {strides = array<i32>} : memref<256xf32, #tpu.memory_space<vmem>>, vector<16xf32>,
            %add3A_304 = arith.addf %get3A_299, %get3A_303 : vector<16xf32>
            %lt3A = arith.cmpf olt, %add3A_304, %scan3A_291 : vector<16xf32>
            %select_n3A_305 = arith.select %lt3A, %add3A_304, %scan3A_291 : vector<16xi1>, vector<16xf32>
            %broadcast_in_dim3A_306 = vector.broadcast %scan3A_290 : i32 to vector<16xi32>
            %select_n3A_307 = arith.select %lt3A, %broadcast_in_dim3A_306, %scan3A_292 : vector<16xi1>, vector<16xi32>
            %scan3A_308 = arith.constant 1 : i32
            %scan3A_309 = arith.addi %scan3A_290, %scan3A_308 : i32
            %mul3A_310 = arith.constant 256 : i32
            %mul3A_311 = arith.muli %add3A, %mul3A_310 : i32
            %mul3A_312 = arith.constant 16 : i32
            %mul3A_313 = arith.muli %scan3A_309, %mul3A_312 : i32
            %add3A_314 = arith.addi %mul3A_311, %mul3A_313 : i32
            %get3A_315 = arith.index_cast %add3A_314 : i32 to index
            %get3A_316 = tpu.vector_load %arg12[%get3A_315] {strides = array<i32>} : memref<65536xf32, #tpu.memory_space<vmem>>, vector<16xf32>,
            %mul3A_317 = arith.constant 16 : i32
            %mul3A_318 = arith.muli %scan3A_309, %mul3A_317 : i32
            %get3A_319 = arith.index_cast %mul3A_318 : i32 to index
            %get3A_320 = tpu.vector_load %arg15[%get3A_319] {strides = array<i32>} : memref<256xf32, #tpu.memory_space<vmem>>, vector<16xf32>,
            %add3A_321 = arith.addf %get3A_316, %get3A_320 : vector<16xf32>
            %lt3A_322 = arith.cmpf olt, %add3A_321, %select_n3A_305 : vector<16xf32>
            %select_n3A_323 = arith.select %lt3A_322, %add3A_321, %select_n3A_305 : vector<16xi1>, vector<16xf32>
            %broadcast_in_dim3A_324 = vector.broadcast %scan3A_309 : i32 to vector<16xi32>
            %select_n3A_325 = arith.select %lt3A_322, %broadcast_in_dim3A_324, %select_n3A_307 : vector<16xi1>, vector<16xi32>
            %scan3A_326 = arith.constant 2 : i32
            %scan3A_327 = arith.addi %scan3A_290, %scan3A_326 : i32
            %mul3A_328 = arith.constant 256 : i32
            %mul3A_329 = arith.muli %add3A, %mul3A_328 : i32
            %mul3A_330 = arith.constant 16 : i32
            %mul3A_331 = arith.muli %scan3A_327, %mul3A_330 : i32
            %add3A_332 = arith.addi %mul3A_329, %mul3A_331 : i32
            %get3A_333 = arith.index_cast %add3A_332 : i32 to index
            %get3A_334 = tpu.vector_load %arg12[%get3A_333] {strides = array<i32>} : memref<65536xf32, #tpu.memory_space<vmem>>, vector<16xf32>,
            %mul3A_335 = arith.constant 16 : i32
            %mul3A_336 = arith.muli %scan3A_327, %mul3A_335 : i32
            %get3A_337 = arith.index_cast %mul3A_336 : i32 to index
            %get3A_338 = tpu.vector_load %arg15[%get3A_337] {strides = array<i32>} : memref<256xf32, #tpu.memory_space<vmem>>, vector<16xf32>,
            %add3A_339 = arith.addf %get3A_334, %get3A_338 : vector<16xf32>
            %lt3A_340 = arith.cmpf olt, %add3A_339, %select_n3A_323 : vector<16xf32>
            %select_n3A_341 = arith.select %lt3A_340, %add3A_339, %select_n3A_323 : vector<16xi1>, vector<16xf32>
            %broadcast_in_dim3A_342 = vector.broadcast %scan3A_327 : i32 to vector<16xi32>
            %select_n3A_343 = arith.select %lt3A_340, %broadcast_in_dim3A_342, %select_n3A_325 : vector<16xi1>, vector<16xi32>
            %scan3A_344 = arith.constant 3 : i32
            %scan3A_345 = arith.addi %scan3A_290, %scan3A_344 : i32
            %mul3A_346 = arith.constant 256 : i32
            %mul3A_347 = arith.muli %add3A, %mul3A_346 : i32
            %mul3A_348 = arith.constant 16 : i32
            %mul3A_349 = arith.muli %scan3A_345, %mul3A_348 : i32
            %add3A_350 = arith.addi %mul3A_347, %mul3A_349 : i32
            %get3A_351 = arith.index_cast %add3A_350 : i32 to index
            %get3A_352 = tpu.vector_load %arg12[%get3A_351] {strides = array<i32>} : memref<65536xf32, #tpu.memory_space<vmem>>, vector<16xf32>,
            %mul3A_353 = arith.constant 16 : i32
            %mul3A_354 = arith.muli %scan3A_345, %mul3A_353 : i32
            %get3A_355 = arith.index_cast %mul3A_354 : i32 to index
            %get3A_356 = tpu.vector_load %arg15[%get3A_355] {strides = array<i32>} : memref<256xf32, #tpu.memory_space<vmem>>, vector<16xf32>,
            %add3A_357 = arith.addf %get3A_352, %get3A_356 : vector<16xf32>
            %lt3A_358 = arith.cmpf olt, %add3A_357, %select_n3A_341 : vector<16xf32>
            %select_n3A_359 = arith.select %lt3A_358, %add3A_357, %select_n3A_341 : vector<16xi1>, vector<16xf32>
            %broadcast_in_dim3A_360 = vector.broadcast %scan3A_345 : i32 to vector<16xi32>
            %select_n3A_361 = arith.select %lt3A_358, %broadcast_in_dim3A_360, %select_n3A_343 : vector<16xi1>, vector<16xi32>
            scf.yield %select_n3A_359, %select_n3A_361 : vector<16xf32>, vector<16xi32>
          }
          %scan3A_256 = arith.constant 16 : i32
          %reduce_min3A_257 = arith.constant true
          %reduce_min3A_258 = vector.broadcast %reduce_min3A_257 : i1 to vector<16xi1>
          %reduce_min3A_259 = tpu.scan <min>, %scan3A_255#0 masked %reduce_min3A_258 : vector<16xf32>, vector<16xi1> -> vector<16xf32>
          %reduce_min3A_260 = vector.extract %reduce_min3A_259[15] : f32 from vector<16xf32>
          %eq3A_261 = vector.broadcast %reduce_min3A_260 : f32 to vector<16xf32>
          %eq3A_262 = arith.cmpf oeq, %scan3A_255#0, %eq3A_261 : vector<16xf32>
          %mul3A_263 = arith.constant 16 : i32
          %mul3A_264 = vector.broadcast %mul3A_263 : i32 to vector<16xi32>
          %mul3A_265 = arith.muli %scan3A_255#1, %mul3A_264 : vector<16xi32>
          %add3A_266 = arith.addi %mul3A_265, %iota3A : vector<16xi32>
          %jit3A = arith.constant 1073741824 : i32
          %broadcast_in_dim3A_267 = vector.broadcast %jit3A : i32 to vector<16xi32>
          %select_n3A = arith.select %eq3A_262, %add3A_266, %broadcast_in_dim3A_267 : vector<16xi1>, vector<16xi32>
          %reduce_min3A_268 = arith.constant true
          %reduce_min3A_269 = vector.broadcast %reduce_min3A_268 : i1 to vector<16xi1>
          %reduce_min3A_270 = arith.constant -2147483648 : i32
          %reduce_min3A_271 = vector.broadcast %reduce_min3A_270 : i32 to vector<16xi32>
          %reduce_min3A_272 = arith.xori %select_n3A, %reduce_min3A_271 : vector<16xi32>
          %reduce_min3A_273 = tpu.scan <min>, %reduce_min3A_272 masked %reduce_min3A_269 : vector<16xi32>, vector<16xi1> -> vector<16xi32>
          %reduce_min3A_274 = arith.xori %reduce_min3A_273, %reduce_min3A_271 : vector<16xi32>
          %reduce_min3A_275 = vector.extract %reduce_min3A_274[15] : i32 from vector<16xi32>
          %broadcast_in_dim3A_276 = vector.broadcast %reduce_min3A_260 : f32 to vector<16xf32>
          tpu.vector_store_idx %arg13[%broadcast_in_dim3A_237], %broadcast_in_dim3A_276 masked %eq3A_1 : memref<256xf32, #tpu.memory_space<vmem>>[vector<16xi32>], vector<16xf32>, vector<16xi1>
          %broadcast_in_dim3A_277 = vector.broadcast %reduce_min3A_275 : i32 to vector<16xi32>
          tpu.vector_store_idx %arg14[%broadcast_in_dim3A_237], %broadcast_in_dim3A_277 masked %eq3A_1 : memref<256xi32, #tpu.memory_space<vmem>>[vector<16xi32>], vector<16xi32>, vector<16xi1>
          %eq3A_278 = vector.broadcast %squeeze3A_234 : i32 to vector<16xi32>
          %eq3A_279 = arith.cmpi eq, %iota3A, %eq3A_278 : vector<16xi32>
          %broadcast_in_dim3A_280 = vector.broadcast %reduce_min3A_260 : f32 to vector<16xf32>
          %select_n3A_281 = arith.select %eq3A_279, %broadcast_in_dim3A_280, %get3A_229 : vector<16xi1>, vector<16xf32>
          %reduce_min3A_282 = arith.constant true
          %reduce_min3A_283 = vector.broadcast %reduce_min3A_282 : i1 to vector<16xi1>
          %reduce_min3A_284 = tpu.scan <min>, %select_n3A_281 masked %reduce_min3A_283 : vector<16xf32>, vector<16xi1> -> vector<16xf32>
          %reduce_min3A_285 = vector.extract %reduce_min3A_284[15] : f32 from vector<16xf32>
          %eq3A_286 = vector.broadcast %squeeze3A : i32 to vector<16xi32>
          %eq3A_287 = arith.cmpi eq, %iota3A, %eq3A_286 : vector<16xi32>
          %broadcast_in_dim3A_288 = vector.broadcast %reduce_min3A_285 : f32 to vector<16xf32>
          %select_n3A_289 = arith.select %eq3A_287, %broadcast_in_dim3A_288, %while3A_221 : vector<16xi1>, vector<16xf32>
          scf.yield %while3A_219, %while3A_220, %select_n3A_289 : i32, f32, vector<16xf32>
        }
        scf.yield %cond3A_246#0, %cond3A_246#1, %cond3A_246#2 : i32, f32, vector<16xf32>
      }
      %broadcast_in_dim3A_217 = vector.broadcast %while3A_216#1 : f32 to vector<16xf32>
      %swap3A = arith.constant 0 : index
      %swap3A_218 = tpu.vector_load %arg16[%swap3A] {strides = array<i32>} : memref<16xf32, #tpu.memory_space<vmem>>, vector<16xf32>,
      tpu.vector_store %arg16[%swap3A], %broadcast_in_dim3A_217 {strides = array<i32>} : memref<16xf32, #tpu.memory_space<vmem>>, vector<16xf32>,
      "tpu.region"() ({
        %run_scoped3A = tpu.sem_alloc : memref<!tpu.dma_semaphore, #tpu.memory_space<semaphore_mem>>
        %dma_start3A_219 = arith.constant 0 : i32
        %dma_start3A_220 = tpu.memref_slice %arg5[%arg0, %dma_start3A_219] : memref<2x16xf32, #tpu.memory_space<hbm>> -> memref<1x16xf32, #tpu.memory_space<hbm>>
        %dma_start3A_221 = tpu.memref_squeeze %dma_start3A_220 : memref<1x16xf32, #tpu.memory_space<hbm>> -> memref<16xf32, #tpu.memory_space<hbm>>
        %dma_start3A_222 = arith.constant 0 : i32
        %dma_start3A_223 = tpu.memref_slice %arg5[%arg0, %dma_start3A_222] : memref<2x16xf32, #tpu.memory_space<hbm>> -> memref<1x16xf32, #tpu.memory_space<hbm>>
        %dma_start3A_224 = tpu.memref_squeeze %dma_start3A_223 : memref<1x16xf32, #tpu.memory_space<hbm>> -> memref<16xf32, #tpu.memory_space<hbm>>
        tpu.enqueue_dma source(%arg16 : memref<16xf32, #tpu.memory_space<vmem>>) target(%dma_start3A_224 : memref<16xf32, #tpu.memory_space<hbm>>) target_semaphore(%run_scoped3A : memref<!tpu.dma_semaphore, #tpu.memory_space<semaphore_mem>>)
        %dma_wait3A_225 = arith.constant 0 : i32
        %dma_wait3A_226 = tpu.memref_slice %arg5[%arg0, %dma_wait3A_225] : memref<2x16xf32, #tpu.memory_space<hbm>> -> memref<1x16xf32, #tpu.memory_space<hbm>>
        %dma_wait3A_227 = tpu.memref_squeeze %dma_wait3A_226 : memref<1x16xf32, #tpu.memory_space<hbm>> -> memref<16xf32, #tpu.memory_space<hbm>>
        %dma_wait3A_228 = arith.constant 0 : i32
        %dma_wait3A_229 = tpu.memref_slice %arg5[%arg0, %dma_wait3A_228] : memref<2x16xf32, #tpu.memory_space<hbm>> -> memref<1x16xf32, #tpu.memory_space<hbm>>
        %dma_wait3A_230 = tpu.memref_squeeze %dma_wait3A_229 : memref<1x16xf32, #tpu.memory_space<hbm>> -> memref<16xf32, #tpu.memory_space<hbm>>
        tpu.wait_dma2 semaphore(%run_scoped3A : memref<!tpu.dma_semaphore, #tpu.memory_space<semaphore_mem>>) src(%arg16 : memref<16xf32, #tpu.memory_space<vmem>>) dst(%dma_wait3A_230 : memref<16xf32, #tpu.memory_space<hbm>>)
        tpu.yield
      }) : () -> ()
    } else {
    }
    return
  }
}

</mosaic_0001>

<sc_bundles>
// kernel: kernel.3.cloned.1.call-start
scs
__scs_entry_jumppad:
0x0: {  	(pc) =	sbr.rel $0x88, $3  }
0x1: {  	(tag) =	ssettag $0x0;
	lr =	simm.s32 $0x1  }
0x2: {  	[smem:$0x3F9F] =	sst lr;
	_ =	strace $0xD0000000  }
0x3: {  	_ = 	snop  }
0x4: {  	_ = 	snop  }
0x5: {  	_ = 	snop  }
0x6: {  	_ = 	snop  }
0x7: {  	_ = 	snop  }
__scs_overlays_trampoline_lowered:
0x8: {  	[smem:$0x3FAE] =	sst s0  }
0x9: {  	[smem:$0x3FAF] =	sst s1  }
0xa: {  	[smem:$0x3FB0] =	sst s2  }
0xb: {  	[smem:$0x3FB1] =	sst s3  }
0xc: {  	[smem:$0x3FB2] =	sst s4  }
0xd: {  	[smem:$0x3FB3] =	sst s5  }
0xe: {  	[smem:$0x3FB4] =	sst s6  }
0xf: {  	[smem:$0x3FB5] =	sst s7  }
0x10: {  	[smem:$0x3FB6] =	sst s8  }
0x11: {  	[smem:$0x3FB7] =	sst s9;
	s0 =	simm.s32 @!p0 $0x0  }
0x12: {  	s1 =	sld [smem:$0x3F9D];
	s0 =	simm.s32 @p0 $0x1  }
0x13: {  	[smem:$0x3FB8] =	sst s0;
	s0 =	simm.s32 @!p1 $0x0  }
0x14: {  	s2 =	sld [smem:$0x3F9C];
	s0 =	simm.s32 @p1 $0x1  }
0x15: {  	[smem:$0x3FB9] =	sst s0;
	s0 =	simm.s32 @!p2 $0x0  }
0x16: {  	s3 =	sld [smem:$0x3FDB];
	s0 =	simm.s32 @p2 $0x1  }
0x17: {  	s4 =	simm.s32 $0x1BF5;
	[smem:$0x3FBB] =	sst s0  }
0x18: {  	s0 =	sld [smem:$0x3F9E];
	_ =	swait.ge [sflag:s4], $0x0  }
0x19: {  	s7 =	sld [smem:$0x3F9F]  }
0x1a: {  	s8 =	sadd.s32 $0xFFFFE003, lr  }
0x1b: {  	s9 =	sadd.s32 $0xFFFFFEF7, lr;
	s5 =	simm.s32 $0xFFFFFFFF;
	p2 =	slt.u32 s8, $0xFFFFF086  }
0x1c: {  	p1 =	slt.u32 s9, $0xF7A;
	s5 =	simm.s32 @!p2 $0x0  }
0x1d: {  	s5 =	simm.s32 @p1 $0x1;
	p0 =	seq.s32 s7, s2  }
0x1e: {  	s7 =	smul.u32 @!p0 $0xF7A, s2;
	p2 =	seq.s32 @!p0 s5, $0x0  }
0x1f: {  	s9 =	smul.u32 $0xF7A, s1;
	s8 =	simm.s32 @!p0 $0x1BF5;
	p2 =	por !p2, p0  }
0x20: {  	[sflag:s8] =	ssyncset.s32 @!p0 $0xFFFFF086;
	s6 =	sadd.s32 @!p0 s3, s7;
	s7 =	simm.s32 @!p0 $0x108  }
0x21: {  	s3 =	sadd.s32 s3, s9;
	s6 =	sadd.s32 @!p0 $0x88, s6;
	s7 =	simm.s32 @p2 $0x1082  }
0x22: {  	[simem:s7], [sflag:s8] =	dma.local @!p0 [hbm:s6], $0xF7A  }
0x23: {  	s9 =	sor.u32 $0xD0000000, s2;
	s6 =	simm.s32 $0x108;
	_ =	swait.ge @!p0 [sflag:s8], $0x0  }
0x24: {  	s3 =	sadd.s32 $0x88, s3;
	s6 =	simm.s32 @!p1 $0x1082;
	[sflag:s4] =	ssyncset.s32 $0xFFFFF086  }
0x25: {  	[simem:s6], [sflag:s4] =	dma.local [hbm:s3], $0xF7A  }
0x26: {  	[smem:$0x3F9F] =	sst s1;
	(tag) =	ssettag s2;
	_ =	strace s9  }
0x27: {  	s1 =	sld [smem:$0x3FAF]  }
0x28: {  	s2 =	sld [smem:$0x3FB0]  }
0x29: {  	s4 =	sld [smem:$0x3FB2]  }
0x2a: {  	p0 =	seq.s32 s5, $0x0;
	s5 =	sld [smem:$0x3FB3]  }
0x2b: {  	s6 =	sld [smem:$0x3FB4]  }
0x2c: {  	s7 =	sld [smem:$0x3FB5]  }
0x2d: {  	s3 =	simm.s32 $0x108;
	s8 =	sld [smem:$0x3FB6]  }
0x2e: {  	s3 =	simm.s32 @!p0 $0x1082;
	s9 =	sld [smem:$0x3FB7]  }
0x2f: {  	lr =	sadd.s32 s0, s3;
	s0 =	sld [smem:$0x3FAE]  }
0x30: {  	s3 =	sld [smem:$0x3FB1]  }
0x31: {  	[smem:$0x3FBA] =	sst s10  }
0x32: {  	s10 =	sld [smem:$0x3FB8];
	_ =	sdelay $0x3  }
0x33: {  	p0 =	seq.s32 s10, $0x1;
	s10 =	sld [smem:$0x3FBA];
	_ =	sdelay $0x3  }
0x34: {  	[smem:$0x3FBA] =	sst s10  }
0x35: {  	s10 =	sld [smem:$0x3FB9];
	_ =	sdelay $0x3  }
0x36: {  	p1 =	seq.s32 s10, $0x1;
	s10 =	sld [smem:$0x3FBA];
	_ =	sdelay $0x3  }
0x37: {  	[smem:$0x3FBA] =	sst s10  }
0x38: {  	s10 =	sld [smem:$0x3FBB]  }
0x39: {  	_ = 	snop;
	(pc) =	sbr.ind lr, $3  }
0x3a: {  	_ = 	snop  }
0x3b: {  	_ = 	snop  }
0x3c: {  	p2 =	seq.s32 s10, $0x1;
	s10 =	sld [smem:$0x3FBA]  }
0x3d: {  	_ =	shalt  }
0x3e: {  	_ =	shalt  }
0x3f: {  	_ =	shalt  }
0x40: {  	_ =	shalt  }
0x41: {  	_ =	shalt  }
0x42: {  	_ =	shalt  }
0x43: {  	_ =	shalt  }
0x44: {  	_ =	shalt  }
0x45: {  	_ =	shalt  }
0x46: {  	_ =	shalt  }
0x47: {  	_ =	shalt  }
0x48: {  	_ =	shalt  }
0x49: {  	_ =	shalt  }
0x4a: {  	_ =	shalt  }
0x4b: {  	_ =	shalt  }
0x4c: {  	_ =	shalt  }
0x4d: {  	_ =	shalt  }
0x4e: {  	_ =	shalt  }
0x4f: {  	_ =	shalt  }
0x50: {  	_ =	shalt  }
0x51: {  	_ =	shalt  }
0x52: {  	_ =	shalt  }
0x53: {  	_ =	shalt  }
0x54: {  	_ =	shalt  }
0x55: {  	_ =	shalt  }
0x56: {  	_ =	shalt  }
0x57: {  	_ =	shalt  }
0x58: {  	_ =	shalt  }
0x59: {  	_ =	shalt  }
0x5a: {  	_ =	shalt  }
0x5b: {  	_ =	shalt  }
0x5c: {  	_ =	shalt  }
0x5d: {  	_ =	shalt  }
0x5e: {  	_ =	shalt  }
0x5f: {  	_ =	shalt  }
0x60: {  	_ =	shalt  }
0x61: {  	_ =	shalt  }
0x62: {  	_ =	shalt  }
0x63: {  	_ =	shalt  }
0x64: {  	_ =	shalt  }
0x65: {  	_ =	shalt  }
0x66: {  	_ =	shalt  }
0x67: {  	_ =	shalt  }
0x68: {  	_ =	shalt  }
0x69: {  	_ =	shalt  }
0x6a: {  	_ =	shalt  }
0x6b: {  	_ =	shalt  }
0x6c: {  	_ =	shalt  }
0x6d: {  	_ =	shalt  }
0x6e: {  	_ =	shalt  }
0x6f: {  	_ =	shalt  }
0x70: {  	_ =	shalt  }
0x71: {  	_ =	shalt  }
0x72: {  	_ =	shalt  }
0x73: {  	_ =	shalt  }
0x74: {  	_ =	shalt  }
0x75: {  	_ =	shalt  }
0x76: {  	_ =	shalt  }
0x77: {  	_ =	shalt  }
0x78: {  	_ =	shalt  }
0x79: {  	_ =	shalt  }
0x7a: {  	_ =	shalt  }
0x7b: {  	_ =	shalt  }
0x7c: {  	_ =	shalt  }
0x7d: {  	_ =	shalt  }
0x7e: {  	_ =	shalt  }
0x7f: {  	_ =	shalt  }
0x80: {  	_ =	shalt  }
0x81: {  	_ =	shalt  }
0x82: {  	_ =	shalt  }
0x83: {  	_ =	shalt  }
0x84: {  	_ =	shalt  }
0x85: {  	_ =	shalt  }
0x86: {  	_ =	shalt  }
0x87: {  	_ =	shalt  }
.Lfunc_end0:
.L_simem_size_0:
called_computation_lowered:
.L_overlay_start_0:
0x88: {  	s2 =	sld [smem:$0x3FD9]  }
0x89: {  	s3 =	sld [smem:$0x3FFE];
	_ =	sdelay $0x1  }
0x8a: {  	s1 =	srdreg.scid  }
0x8b: {  	s0 =	sand.u32 $0x1, s1  }
0x8c: {  	s16 =	sshll.u32 s0, $0xA;
	s2 =	sadd.s32 s3, s2  }
0x8d: {  	s2 =	sadd.s32 s2, s16  }
0x8e: {  	[smem:$0x3FC6] =	sst s2  }
0x8f: {  	_ = 	snop  }
0x90: {  	(tm) =	ssettm $0x1  }
0x91: {  	s17 =	sld [smem:$0x3FFB];
	_ =	sdelay $0x3  }
0x92: {  	_ =	strace s17  }
0x93: {  	s2 =	sld [smem:$0x3FFC];
	_ =	sdelay $0x3  }
0x94: {  	_ =	strace s2  }
0x95: {  	s2 =	sld [smem:$0x3FFD];
	_ =	sdelay $0x3  }
0x96: {  	_ =	strace s2  }
0x97: {  	_ =	strace $0x8FFFFFFF  }
0x98: {  	s18 =	sld [smem:$0x3FDB];
	_ =	sdelay $0x1  }
0x99: {  	s19 =	simm.s32 $_scs_section_size  }
0x9a: {  	s4 =	simm.s32 $_size__tile_overlayer_lowered;
	s5 =	simm.s32 $_tile_overlayer_lowered  }
0x9b: {  	s22 =	simm.s32 $0x1BFF;
	s21 =	sshll.u32 s5, $0x1;
	s2 =	sadd.s32 s19, s18  }
0x9c: {  	s6 =	simm.s32 $0x0;
	s20 =	sshll.u32 s4, $0x1;
	s4 =	sadd.s32 s21, s2  }
0x9d: {  	[timem:s6], [sflag:s22] =	dma.local [hbm:s4], s20  }
0x9e: {  	_ =	swait.ge [sflag:s22], s20  }
0x9f: {  	s3 =	ssub.s32 $0x0, s20;
	[sflag:s22] =	ssyncset.done $0x0  }
0xa0: {  	[sflag:s22] =	ssyncadd.s32 s3;
	_ =	sdelay $0x1  }
0xa1: {  	s23 =	simm.s32 $0x1B8B  }
0xa2: {  	_ =	swait.ge [sflag:s23], $0x1  }
0xa3: {  	[sflag:s23] =	ssyncset.done $0x0  }
0xa4: {  	s25 =	simm.s32 $0x1B8E;
	s24 =	sld [smem:$0x3FFE];
	[sflag:s23] =	ssyncadd.s32 $0xFFFFFFFF  }
0xa5: {  	s26 =	simm.s32 $execute0_lowered;
	[smem:$0x3FD2] =	sst s25  }
0xa6: {  	s4 =	sshll.u32 s26, $0x1;
	_ =	strace $0x80000046;
	[dreg:$0x1] =	wrdreg $0xFFFFFFFF  }
0xa7: {  	s28 =	simm.s32 $_size_execute0_lowered;
	s2 =	sadd.s32 s2, s4;
	[dreg:$0x0] =	wrdreg $0x0  }
0xa8: {  	s4 =	sshll.u32 s28, $0x1;
	[dreg:$0x2] =	wrdreg s2  }
0xa9: {  	[dreg:$0x3] =	wrdreg s4  }
0xaa: {  	[dreg:$0x4] =	wrdreg $0xC0  }
0xab: {  	_ =	task [dreg:s6], $0x5FFFF  }
0xac: {  	[dreg:$0x1] =	wrdreg $0xFFFFFFFF  }
0xad: {  	[dreg:$0x0] =	wrdreg $0x60  }
0xae: {  	[dreg:$0x2] =	wrdreg s24  }
0xaf: {  	[dreg:$0x3] =	wrdreg $0x11E800  }
0xb0: {  	[dreg:$0x4] =	wrdreg $0x12E800  }
0xb1: {  	[dreg:$0x5] =	wrdreg $0x12E900  }
0xb2: {  	[dreg:$0x6] =	wrdreg $0x9  }
0xb3: {  	_ =	task.clear_ibuf [dreg:s6], $0x7FFFF;
	_ =	strace $0x90000046  }
0xb4: {  	s29 =	simm.s32 $0x9;
	_ =	strace $0x80000048  }
0xb5: {  	_ =	swait.ge [sflag:s29], $0x1  }
0xb6: {  	[sflag:s29] =	ssyncadd.s32 $0xFFFFFFFF  }
0xb7: {  	_ =	strace $0x90000048  }
0xb8: {  	_ =	sfence  }
0xb9: {  	s30 =	sld [smem:$0x0];
	_ =	sdelay $0x2  }
0xba: {  	s31 =	sshll.u32 s1, $0xD;
	s1 =	sshrl.u32 s1, $0x2  }
0xbb: {  	s3 =	sand.u32 $0x4000, s31;
	s1 =	sadd.s32 s1, s30  }
0xbc: {  	s0 =	sor.u32 s3, s0;
	s1 =	sshll.u32 s1, $0x11  }
0xbd: {  	s0 =	sor.u32 s1, s0  }
0xbe: {  	s0 =	sadd.s32 $0x8F2B, s0  }
0xbf: {  	[sflag:s0] =	ssyncadd.remote.s32 $0x1  }
0xc0: {  	_ =	sfence.sel $0xFFFF  }
0xc1: {  	[dreg:$0x0] =	wrdreg $0xFFFFFFFF;
	(pc) =	sbr.abs _section_cstart, $3  }
0xc2: {  	[dreg:$0x1] =	wrdreg $0xFFFFFFFF  }
0xc3: {  	_ =	task.clear_ibuf [dreg:s6], $0x2FFFF;
	_ =	strace $0x9FFFFFFF  }
0xc4: {  	(tm) =	ssettm $0x7FFFFFFF  }
0xc5: {  	_ =	shalt  }
tec
execute0_lowered:
.L_overlay_start_1:
0x0: {  	(tag) =	ssettag $0x1  }
0x1: {  	s0 =	rddreg [dreg:$0x0]  }
0x2: {  	s9 =	rddreg [dreg:$0x1]  }
0x3: {  	s10 =	rddreg [dreg:$0x2]  }
0x4: {  	s11 =	rddreg [dreg:$0x3];
	s4 =	simm.s32 $0x0  }
0x5: {  	s1 =	srdreg.scid;
	s7 =	stileid.u32;
	s14 =	simm.s32 $0x2  }
0x6: {  	s15 =	simm.s32 $0x80;
	s16 =	simm.s32 $0x400;
	s26 =	simm.s32 $0x200  }
0x7: {  	s30 =	simm.s32 $0x280;
	s17 =	simm.s32 $0x11C00;
	s18 =	simm.s32 $0x11D00  }
0x8: {  	s19 =	simm.s32 $0x11B00;
	s21 =	simm.s32 $0x0;
	[smem:$0x7FF] =	sst s4  }
0x9: {  	s1 =	sand.u32 $0x1, s1;
	s5 =	sadd.s32 $0xA00, s0;
	s6 =	sadd.s32 $0x1600, s0  }
0xa: {  	s29 =	sshll.u32 s7, $0xC;
	p0 =	sne.s32 s7, $0x0;
	_ =	strace $0x80000047  }
0xb: {  	s2 =	sshll.u32 s1, $0x7;
	s3 =	ssub.s32 $0x2, s1;
	s1 =	sshll.u32 s1, $0x4  }
0xc: {  	s31 =	sadd.s32 s29, s9;
	s2 =	sadd.s32 s2, s0;
	s8 =	sshrl.u32 s3, $0x1  }
.Ltmp0:
0xd: {  	s0 =	sadd.s32 s1, s0;
	[dreg:$0x6] =	wrdreg s31;
	(pc) =	sbr.rel .LBB2_1-.Ltmp0, $4  }
0xe: {  	s1 =	simm.s32 $0x1;
	s28 =	ssub.s32 s3, s8;
	s2 =	sadd.s32 $0x2200, s2  }
0xf: {  	s8 =	sshll.u32 s7, $0x4;
	s0 =	sadd.s32 $0x2400, s0;
	s3 =	simm.s32 $0x1A80  }
0x10: {  	v0 =	vlaneseq.u32;
	[dreg:$0x5] =	wrdreg s2;
	s10 =	sadd.s32 s8, s10;
	s11 =	sadd.s32 s8, s11  }
0x11: {  	v2 =	vimm.f32 $0.0e+00;
	v3 =	vimm.f32 $3.000000010e+38;
	v1 =	vor.u32 $0x80000000, v0;
	[dreg:$0x7] =	wrdreg s0;
	s13 =	smax.u32 s28, $0x1;
	s2 =	simm.s32 $0x1A00  }
.LBB2_14:
0x12: {  	v4 =	vmov s22  }
0x13: {  	s0 =	rddreg [dreg:$0x7];
	s7 =	simm.s32 $0x11E00;
	[tilespmem:$0x11E00] =	vst v4  }
0x14: {  	[hbm4b:s0+s4] =	stream.linear.scatter [tilespmem:s7], [sflag:$0x2], $0x80, $0x38;
	[tilespmem:$0x12EA0] =	vst v63  }
0x15: {  	_ =	swait.ge [sflag:s14], $0x80  }
0x16: {  	[sflag:s14] =	ssyncset.done $0x0  }
0x17: {  	[sflag:s14] =	ssyncadd.s32 $0xFFFFFF80  }
.LBB2_15:
0x18: {  	s21 =	sadd.s32 $0x1, s21  }
0x19: {  	p1 =	sne.s32 s21, s13  }
.Ltmp1:
0x1a: {  	_ = 	snop;
	(pc) =	sbr.rel @!p1 .LBB2_16-.Ltmp1, $1  }
0x1b: {  	_ =	sdelay $0x3  }
.LBB2_1:
0x1c: {  	s0 =	rddreg [dreg:$0x5]  }
0x1d: {  	[tilespmem:s4], [sflag:$0x2] =	stream.linear.gather [hbm4b:s0+s4], $0x300, $0x38;
	[tilespmem:$0x12EA0] =	vst v63  }
0x1e: {  	_ =	swait.ge [sflag:s14], $0x300  }
0x1f: {  	[sflag:s14] =	ssyncset.done $0x0  }
0x20: {  	[sflag:s14] =	ssyncadd.s32 $0xFFFFFD00  }
0x21: {  	[tilespmem:s16], [sflag:$0x1] =	stream.indirect.gather [hbm4b:s5+s15], $0x1, s4, s15, $0xb8;
	[tilespmem:$0x12EA0] =	vst v63  }
0x22: {  	s31 =	simm.s32 $0x700  }
0x23: {  	[tilespmem:s31], [sflag:$0x1] =	stream.indirect.gather [hbm4b:s6+s15], $0x1, s4, s15, $0xb8;
	[tilespmem:$0x12EA0] =	vst v63  }
0x24: {  	s7 =	simm.s32 $0x480  }
0x25: {  	[tilespmem:s7], [sflag:$0x1] =	stream.indirect.gather [hbm4b:s5+s15], $0x1, s15, s15, $0xb8;
	[tilespmem:$0x12EA0] =	vst v63  }
0x26: {  	s9 =	simm.s32 $0x780  }
0x27: {  	[tilespmem:s9], [sflag:$0x1] =	stream.indirect.gather [hbm4b:s6+s15], $0x1, s15, s15, $0xb8;
	[tilespmem:$0x12EA0] =	vst v63  }
0x28: {  	s12 =	simm.s32 $0x100;
	s7 =	simm.s32 $0x500  }
0x29: {  	[tilespmem:s7], [sflag:$0x1] =	stream.indirect.gather [hbm4b:s5+s15], $0x1, s12, s15, $0xb8;
	[tilespmem:$0x12EA0] =	vst v63  }
0x2a: {  	s20 =	simm.s32 $0x800  }
0x2b: {  	[tilespmem:s20], [sflag:$0x1] =	stream.indirect.gather [hbm4b:s6+s15], $0x1, s12, s15, $0xb8;
	[tilespmem:$0x12EA0] =	vst v63  }
0x2c: {  	s22 =	simm.s32 $0x180;
	s23 =	simm.s32 $0x580  }
0x2d: {  	[tilespmem:s23], [sflag:$0x1] =	stream.indirect.gather [hbm4b:s5+s15], $0x1, s22, s15, $0xb8;
	[tilespmem:$0x12EA0] =	vst v63  }
0x2e: {  	s24 =	simm.s32 $0x880  }
0x2f: {  	[tilespmem:s24], [sflag:$0x1] =	stream.indirect.gather [hbm4b:s6+s15], $0x1, s22, s15, $0xb8;
	[tilespmem:$0x12EA0] =	vst v63  }
0x30: {  	s25 =	simm.s32 $0x600  }
0x31: {  	[tilespmem:s25], [sflag:$0x1] =	stream.indirect.gather [hbm4b:s5+s15], $0x1, s26, s15, $0xb8;
	[tilespmem:$0x12EA0] =	vst v63  }
0x32: {  	s28 =	simm.s32 $0x900  }
0x33: {  	[tilespmem:s28], [sflag:$0x1] =	stream.indirect.gather [hbm4b:s6+s15], $0x1, s26, s15, $0xb8;
	[tilespmem:$0x12EA0] =	vst v63  }
0x34: {  	s29 =	simm.s32 $0x680  }
0x35: {  	[tilespmem:s29], [sflag:$0x1] =	stream.indirect.gather [hbm4b:s5+s15], $0x1, s30, s15, $0xb8;
	[tilespmem:$0x12EA0] =	vst v63  }
0x36: {  	s31 =	simm.s32 $0x980  }
0x37: {  	[tilespmem:s31], [sflag:$0x1] =	stream.indirect.gather [hbm4b:s6+s15], $0x1, s30, s15, $0xb8;
	[tilespmem:$0x12EA0] =	vst v63  }
0x38: {  	_ =	swait.ge [sflag:s1], $0x80  }
0x39: {  	[sflag:s1] =	ssyncset.done $0x0  }
0x3a: {  	[sflag:s1] =	ssyncadd.s32 $0xFFFFFF80  }
0x3b: {  	_ =	swait.ge [sflag:s1], $0x80  }
0x3c: {  	[sflag:s1] =	ssyncset.done $0x0  }
0x3d: {  	[sflag:s1] =	ssyncadd.s32 $0xFFFFFF80  }
0x3e: {  	_ =	swait.ge [sflag:s1], $0x80  }
0x3f: {  	[sflag:s1] =	ssyncset.done $0x0  }
0x40: {  	[sflag:s1] =	ssyncadd.s32 $0xFFFFFF80  }
0x41: {  	_ =	swait.ge [sflag:s1], $0x80  }
0x42: {  	[sflag:s1] =	ssyncset.done $0x0  }
0x43: {  	[sflag:s1] =	ssyncadd.s32 $0xFFFFFF80  }
0x44: {  	_ =	swait.ge [sflag:s1], $0x80  }
0x45: {  	[sflag:s1] =	ssyncset.done $0x0  }
0x46: {  	[sflag:s1] =	ssyncadd.s32 $0xFFFFFF80  }
0x47: {  	_ =	swait.ge [sflag:s1], $0x80  }
0x48: {  	[sflag:s1] =	ssyncset.done $0x0  }
0x49: {  	[sflag:s1] =	ssyncadd.s32 $0xFFFFFF80  }
0x4a: {  	_ =	swait.ge [sflag:s1], $0x80  }
0x4b: {  	[sflag:s1] =	ssyncset.done $0x0  }
0x4c: {  	[sflag:s1] =	ssyncadd.s32 $0xFFFFFF80  }
0x4d: {  	_ =	swait.ge [sflag:s1], $0x80  }
0x4e: {  	[sflag:s1] =	ssyncset.done $0x0  }
0x4f: {  	[sflag:s1] =	ssyncadd.s32 $0xFFFFFF80  }
0x50: {  	_ =	swait.ge [sflag:s1], $0x80  }
0x51: {  	[sflag:s1] =	ssyncset.done $0x0  }
0x52: {  	[sflag:s1] =	ssyncadd.s32 $0xFFFFFF80  }
0x53: {  	_ =	swait.ge [sflag:s1], $0x80  }
0x54: {  	[sflag:s1] =	ssyncset.done $0x0  }
0x55: {  	[sflag:s1] =	ssyncadd.s32 $0xFFFFFF80  }
0x56: {  	_ =	swait.ge [sflag:s1], $0x80  }
0x57: {  	[sflag:s1] =	ssyncset.done $0x0  }
0x58: {  	[sflag:s1] =	ssyncadd.s32 $0xFFFFFF80  }
0x59: {  	_ =	swait.ge [sflag:s1], $0x80  }
0x5a: {  	[sflag:s1] =	ssyncset.done $0x0  }
0x5b: {  	s22 =	simm.s32 $0x0;
	[sflag:s1] =	ssyncadd.s32 $0xFFFFFF80  }
.LBB2_2:
0x5c: {  	s0 =	sadd.s32 s8, s22  }
0x5d: {  	v4 =	vmov s0  }
0x5e: {  	s12 =	simm.s32 $0x0;
	v5 =	vor.u32 $0x100, v4  }
0x5f: {  	s24 =	simm.s32 $0x720;
	s7 =	sand.u32 $0x80, s12;
	s0 =	sand.u32 $0x40, s12  }
0x60: {  	v8 =	vld [tilespmem:s24+$0xFFFFFFE0];
	v6 =	vor.u32 $0x200, v4;
	s12 =	sor.u32 s0, s7  }
0x61: {  	v7 =	vld [tilespmem:s12+$0x800]  }
0x62: {  	v4 =	vld.idx.msk [tilespmem:v4+s16+$0x0], $0xffff  }
0x63: {  	v5 =	vld.idx.msk [tilespmem:v5+s16+$0x0], $0xffff  }
0x64: {  	v9 =	vld [tilespmem:s12+$0x900]  }
0x65: {  	v6 =	vld.idx.msk [tilespmem:v6+s16+$0x0], $0xffff;
	_ =	sdelay $0x2  }
0x66: {  	v8 =	vsub.f32 v4, v8;
	v7 =	vsub.f32 v5, v7;
	_ =	sdelay $0x1  }
0x67: {  	v9 =	vsub.f32 v6, v9;
	v8 =	vmul.f32 v8, v8;
	v7 =	vmul.f32 v7, v7;
	_ =	sdelay $0x1  }
0x68: {  	v7 =	vadd.f32 v7, v8;
	v8 =	vmul.f32 v9, v9;
	_ =	sdelay $0x1  }
0x69: {  	v7 =	vadd.f32 v8, v7;
	_ =	sdelay $0x1  }
0x6a: {  	v8 =	vmul.f32 $5.000000000e-01, v7;
	v9 =	vshrl.u32 v7, $0x1  }
0x6b: {  	v9 =	vsub.s32 $0x5F3759DF, v9  }
0x6c: {  	v10 =	vmul.f32 v9, v8;
	_ =	sdelay $0x1  }
0x6d: {  	v10 =	vmul.f32 v9, v10;
	_ =	sdelay $0x1  }
0x6e: {  	v10 =	vsub.f32 $1.500000000e+00, v10;
	_ =	sdelay $0x1  }
0x6f: {  	v9 =	vmul.f32 v9, v10;
	_ =	sdelay $0x1  }
0x70: {  	v10 =	vmul.f32 v9, v8;
	_ =	sdelay $0x1  }
0x71: {  	v10 =	vmul.f32 v10, v9;
	_ =	sdelay $0x1  }
0x72: {  	v10 =	vsub.f32 $1.500000000e+00, v10;
	_ =	sdelay $0x1  }
0x73: {  	v9 =	vmul.f32 v10, v9;
	_ =	sdelay $0x1  }
0x74: {  	v8 =	vmul.f32 v9, v8;
	_ =	sdelay $0x1  }
0x75: {  	v8 =	vmul.f32 v8, v9;
	_ =	sdelay $0x1  }
0x76: {  	v8 =	vsub.f32 $1.500000000e+00, v8  }
0x77: {  	s20 =	sshll.u32 s22, $0x8  }
0x78: {  	s12 =	sand.u32 $0x3FFFFF00, s20;
	v8 =	vmul.f32 v8, v9  }
0x79: {  	s25 =	sadd.s32 $0xA00, s12  }
0x7a: {  	s7 =	sadd.s32 s7, s25;
	v7 =	vmul.f32 v8, v7  }
0x7b: {  	s23 =	simm.s32 $0x10;
	s0 =	sadd.s32 s0, s7  }
0x7c: {  	s9 =	sand.u32 $0x80, s23;
	s7 =	sand.u32 $0x50, s23;
	[tilespmem:s0+$0x0] =	vst v7  }
0x7d: {  	s20 =	sor.u32 s7, s9;
	v8 =	vld [tilespmem:s24+$0xFFFFFFF0]  }
0x7e: {  	v9 =	vld [tilespmem:s20+$0x800];
	_ =	sdelay $0x1  }
0x7f: {  	v10 =	vld [tilespmem:s20+$0x900];
	_ =	sdelay $0x2  }
0x80: {  	v8 =	vsub.f32 v4, v8;
	v9 =	vsub.f32 v5, v9;
	_ =	sdelay $0x1  }
0x81: {  	v10 =	vsub.f32 v6, v10;
	v8 =	vmul.f32 v8, v8;
	v9 =	vmul.f32 v9, v9;
	_ =	sdelay $0x1  }
0x82: {  	v8 =	vadd.f32 v9, v8;
	v9 =	vmul.f32 v10, v10;
	_ =	sdelay $0x1  }
0x83: {  	v8 =	vadd.f32 v9, v8;
	_ =	sdelay $0x1  }
0x84: {  	v9 =	vmul.f32 $5.000000000e-01, v8;
	v10 =	vshrl.u32 v8, $0x1  }
0x85: {  	v10 =	vsub.s32 $0x5F3759DF, v10  }
0x86: {  	v11 =	vmul.f32 v10, v9;
	_ =	sdelay $0x1  }
0x87: {  	v11 =	vmul.f32 v10, v11;
	_ =	sdelay $0x1  }
0x88: {  	v11 =	vsub.f32 $1.500000000e+00, v11;
	_ =	sdelay $0x1  }
0x89: {  	v10 =	vmul.f32 v10, v11;
	_ =	sdelay $0x1  }
0x8a: {  	v11 =	vmul.f32 v10, v9;
	_ =	sdelay $0x1  }
0x8b: {  	v11 =	vmul.f32 v11, v10;
	_ =	sdelay $0x1  }
0x8c: {  	v11 =	vsub.f32 $1.500000000e+00, v11;
	_ =	sdelay $0x1  }
0x8d: {  	v10 =	vmul.f32 v11, v10;
	_ =	sdelay $0x1  }
0x8e: {  	v9 =	vmul.f32 v10, v9;
	_ =	sdelay $0x1  }
0x8f: {  	v9 =	vmul.f32 v9, v10;
	_ =	sdelay $0x1  }
0x90: {  	v9 =	vsub.f32 $1.500000000e+00, v9;
	_ =	sdelay $0x1  }
0x91: {  	v9 =	vmul.f32 v9, v10;
	_ =	sdelay $0x1  }
0x92: {  	s0 =	sadd.s32 s9, s25;
	v9 =	vmul.f32 v9, v8  }
0x93: {  	s23 =	simm.s32 $0x20;
	s0 =	sadd.s32 s7, s0  }
0x94: {  	s9 =	sand.u32 $0x80, s23;
	s7 =	sand.u32 $0x60, s23;
	[tilespmem:s0+$0x0] =	vst v9  }
0x95: {  	s20 =	sor.u32 s7, s9;
	v8 =	vld [tilespmem:s24+$0x0]  }
0x96: {  	v10 =	vld [tilespmem:s20+$0x800];
	_ =	sdelay $0x1  }
0x97: {  	v11 =	vld [tilespmem:s20+$0x900];
	_ =	sdelay $0x2  }
0x98: {  	v8 =	vsub.f32 v4, v8;
	v10 =	vsub.f32 v5, v10;
	_ =	sdelay $0x1  }
0x99: {  	v11 =	vsub.f32 v6, v11;
	v8 =	vmul.f32 v8, v8;
	v10 =	vmul.f32 v10, v10;
	_ =	sdelay $0x1  }
0x9a: {  	v8 =	vadd.f32 v10, v8;
	v10 =	vmul.f32 v11, v11;
	_ =	sdelay $0x1  }
0x9b: {  	v8 =	vadd.f32 v10, v8;
	_ =	sdelay $0x1  }
0x9c: {  	v10 =	vmul.f32 $5.000000000e-01, v8;
	v11 =	vshrl.u32 v8, $0x1  }
0x9d: {  	v11 =	vsub.s32 $0x5F3759DF, v11  }
0x9e: {  	v12 =	vmul.f32 v11, v10;
	_ =	sdelay $0x1  }
0x9f: {  	v12 =	vmul.f32 v11, v12;
	_ =	sdelay $0x1  }
0xa0: {  	v12 =	vsub.f32 $1.500000000e+00, v12;
	_ =	sdelay $0x1  }
0xa1: {  	v11 =	vmul.f32 v11, v12;
	_ =	sdelay $0x1  }
0xa2: {  	v12 =	vmul.f32 v11, v10;
	_ =	sdelay $0x1  }
0xa3: {  	v12 =	vmul.f32 v12, v11;
	_ =	sdelay $0x1  }
0xa4: {  	v12 =	vsub.f32 $1.500000000e+00, v12;
	_ =	sdelay $0x1  }
0xa5: {  	v11 =	vmul.f32 v12, v11;
	_ =	sdelay $0x1  }
0xa6: {  	v10 =	vmul.f32 v11, v10;
	_ =	sdelay $0x1  }
0xa7: {  	v10 =	vmul.f32 v10, v11;
	_ =	sdelay $0x1  }
0xa8: {  	v10 =	vsub.f32 $1.500000000e+00, v10;
	_ =	sdelay $0x1  }
0xa9: {  	v10 =	vmul.f32 v10, v11;
	_ =	sdelay $0x1  }
0xaa: {  	s0 =	sadd.s32 s9, s25;
	v8 =	vmul.f32 v10, v8  }
0xab: {  	s29 =	simm.s32 $0x30;
	s0 =	sadd.s32 s7, s0;
	v11 =	vimm.f32 $3.000000010e+38  }
0xac: {  	s23 =	sand.u32 $0x80, s29;
	vm1 =	vlt.f32 v7, v11;
	[tilespmem:s0+$0x0] =	vst v8;
	s0 =	sand.u32 $0x70, s29  }
0xad: {  	v7 =	vsel vm1, v7, v11;
	v10 =	vld [tilespmem:s24+$0x10];
	s20 =	sor.u32 s0, s23  }
0xae: {  	vm0 =	vlt.f32 v9, v7;
	v12 =	vld [tilespmem:s20+$0x800]  }
0xaf: {  	s28 =	simm.s32 $0x0;
	v13 =	vimm.s32 $0x0;
	s31 =	simm.s32 $0x4;
	v9 =	vsel vm0, v9, v7;
	v11 =	vld [tilespmem:s20+$0x900]  }
0xb0: {  	s12 =	sadd.s32 s23, s25;
	s7 =	simm.s32 $0x2;
	v7 =	vsel vm1, s28, v13;
	vm2 =	vlt.f32 v8, v9;
	s20 =	simm.s32 $0x1  }
.LBB2_3:
0xb1: {  	p1 =	slt.u32 s31, $0xC  }
0xb2: {  	v7 =	vsel vm0, s20, v7;
	s29 =	sadd.s32 $0x40, s29;
	s24 =	sadd.s32 $0x40, s24;
	s23 =	smov.u32 s31  }
0xb3: {  	s31 =	sadd.s32 $0x4, s31;
	v8 =	vsel vm2, v8, v9;
	v9 =	vsub.f32 v4, v10;
	s20 =	sadd.s32 s0, s12;
	s9 =	sadd.s32 $0xFFFFFFD0, s29;
	v10 =	vsub.f32 v5, v12  }
0xb4: {  	v7 =	vsel vm2, s7, v7;
	s7 =	sadd.s32 $0x3, s28;
	s0 =	sand.u32 $0x80, s9;
	s9 =	sand.u32 $0x40, s9;
	v11 =	vsub.f32 v6, v11  }
0xb5: {  	s28 =	smov.u32 s23;
	v9 =	vmul.f32 v9, v9;
	s12 =	sor.u32 s9, s0;
	s0 =	sadd.s32 s0, s25;
	v10 =	vmul.f32 v10, v10  }
0xb6: {  	s0 =	sadd.s32 s9, s0;
	v11 =	vmul.f32 v11, v11  }
0xb7: {  	v9 =	vadd.f32 v10, v9;
	_ =	sdelay $0x1  }
0xb8: {  	v9 =	vadd.f32 v11, v9;
	_ =	sdelay $0x1  }
0xb9: {  	v10 =	vmul.f32 $5.000000000e-01, v9;
	v11 =	vshrl.u32 v9, $0x1  }
0xba: {  	v11 =	vsub.s32 $0x5F3759DF, v11  }
0xbb: {  	v12 =	vmul.f32 v11, v10;
	_ =	sdelay $0x1  }
0xbc: {  	v12 =	vmul.f32 v11, v12;
	_ =	sdelay $0x1  }
0xbd: {  	v12 =	vsub.f32 $1.500000000e+00, v12;
	_ =	sdelay $0x1  }
0xbe: {  	v11 =	vmul.f32 v11, v12;
	_ =	sdelay $0x1  }
0xbf: {  	v12 =	vmul.f32 v11, v10;
	_ =	sdelay $0x1  }
0xc0: {  	v12 =	vmul.f32 v12, v11;
	_ =	sdelay $0x1  }
0xc1: {  	v12 =	vsub.f32 $1.500000000e+00, v12;
	_ =	sdelay $0x1  }
0xc2: {  	v11 =	vmul.f32 v12, v11;
	_ =	sdelay $0x1  }
0xc3: {  	v10 =	vmul.f32 v11, v10;
	_ =	sdelay $0x1  }
0xc4: {  	v10 =	vmul.f32 v10, v11;
	_ =	sdelay $0x1  }
0xc5: {  	v10 =	vsub.f32 $1.500000000e+00, v10;
	_ =	sdelay $0x1  }
0xc6: {  	v10 =	vmul.f32 v10, v11;
	_ =	sdelay $0x1  }
0xc7: {  	v9 =	vmul.f32 v10, v9;
	_ =	sdelay $0x1  }
0xc8: {  	[tilespmem:s20+$0x0] =	vst v9;
	vm0 =	vlt.f32 v9, v8  }
0xc9: {  	v10 =	vld [tilespmem:s12+$0x800];
	v8 =	vsel vm0, v9, v8;
	v7 =	vsel vm0, s7, v7  }
0xca: {  	v9 =	vld [tilespmem:s24+$0xFFFFFFE0];
	_ =	sdelay $0x1  }
0xcb: {  	v11 =	vld [tilespmem:s12+$0x900];
	_ =	sdelay $0x1  }
0xcc: {  	v10 =	vsub.f32 v5, v10  }
0xcd: {  	v9 =	vsub.f32 v4, v9;
	_ =	sdelay $0x1  }
0xce: {  	v10 =	vmul.f32 v10, v10;
	v11 =	vsub.f32 v6, v11;
	v9 =	vmul.f32 v9, v9;
	_ =	sdelay $0x1  }
0xcf: {  	v9 =	vadd.f32 v10, v9;
	v10 =	vmul.f32 v11, v11;
	_ =	sdelay $0x1  }
0xd0: {  	v9 =	vadd.f32 v10, v9;
	_ =	sdelay $0x1  }
0xd1: {  	v10 =	vmul.f32 $5.000000000e-01, v9;
	v11 =	vshrl.u32 v9, $0x1  }
0xd2: {  	v11 =	vsub.s32 $0x5F3759DF, v11  }
0xd3: {  	v12 =	vmul.f32 v11, v10;
	_ =	sdelay $0x1  }
0xd4: {  	v12 =	vmul.f32 v11, v12;
	_ =	sdelay $0x1  }
0xd5: {  	v12 =	vsub.f32 $1.500000000e+00, v12;
	_ =	sdelay $0x1  }
0xd6: {  	v11 =	vmul.f32 v11, v12;
	_ =	sdelay $0x1  }
0xd7: {  	v12 =	vmul.f32 v11, v10;
	_ =	sdelay $0x1  }
0xd8: {  	v12 =	vmul.f32 v12, v11;
	_ =	sdelay $0x1  }
0xd9: {  	v12 =	vsub.f32 $1.500000000e+00, v12;
	_ =	sdelay $0x1  }
0xda: {  	v11 =	vmul.f32 v12, v11;
	_ =	sdelay $0x1  }
0xdb: {  	v10 =	vmul.f32 v11, v10;
	_ =	sdelay $0x1  }
0xdc: {  	v10 =	vmul.f32 v10, v11;
	_ =	sdelay $0x1  }
0xdd: {  	v10 =	vsub.f32 $1.500000000e+00, v10;
	_ =	sdelay $0x1  }
0xde: {  	v10 =	vmul.f32 v10, v11;
	_ =	sdelay $0x1  }
0xdf: {  	v9 =	vmul.f32 v10, v9  }
0xe0: {  	s7 =	sadd.s32 $0xFFFFFFE0, s29  }
0xe1: {  	s12 =	sand.u32 $0x80, s7;
	[tilespmem:s0+$0x0] =	vst v9;
	s0 =	sand.u32 $0x50, s7  }
0xe2: {  	v10 =	vld [tilespmem:s24+$0xFFFFFFF0];
	s7 =	sor.u32 s0, s12  }
0xe3: {  	v11 =	vld [tilespmem:s7+$0x800];
	_ =	sdelay $0x1  }
0xe4: {  	v12 =	vld [tilespmem:s7+$0x900];
	_ =	sdelay $0x1  }
0xe5: {  	v10 =	vsub.f32 v4, v10  }
0xe6: {  	v11 =	vsub.f32 v5, v11;
	_ =	sdelay $0x1  }
0xe7: {  	v10 =	vmul.f32 v10, v10;
	v12 =	vsub.f32 v6, v12;
	v11 =	vmul.f32 v11, v11;
	_ =	sdelay $0x1  }
0xe8: {  	v10 =	vadd.f32 v11, v10;
	v11 =	vmul.f32 v12, v12;
	_ =	sdelay $0x1  }
0xe9: {  	v10 =	vadd.f32 v11, v10;
	_ =	sdelay $0x1  }
0xea: {  	v11 =	vmul.f32 $5.000000000e-01, v10;
	v12 =	vshrl.u32 v10, $0x1  }
0xeb: {  	v12 =	vsub.s32 $0x5F3759DF, v12  }
0xec: {  	v13 =	vmul.f32 v12, v11;
	_ =	sdelay $0x1  }
0xed: {  	v13 =	vmul.f32 v12, v13;
	_ =	sdelay $0x1  }
0xee: {  	v13 =	vsub.f32 $1.500000000e+00, v13;
	_ =	sdelay $0x1  }
0xef: {  	v12 =	vmul.f32 v12, v13;
	_ =	sdelay $0x1  }
0xf0: {  	v13 =	vmul.f32 v12, v11;
	_ =	sdelay $0x1  }
0xf1: {  	v13 =	vmul.f32 v13, v12;
	_ =	sdelay $0x1  }
0xf2: {  	v13 =	vsub.f32 $1.500000000e+00, v13;
	_ =	sdelay $0x1  }
0xf3: {  	v12 =	vmul.f32 v13, v12;
	_ =	sdelay $0x1  }
0xf4: {  	v11 =	vmul.f32 v12, v11;
	_ =	sdelay $0x1  }
0xf5: {  	v11 =	vmul.f32 v11, v12;
	_ =	sdelay $0x1  }
0xf6: {  	v11 =	vsub.f32 $1.500000000e+00, v11;
	_ =	sdelay $0x1  }
0xf7: {  	v11 =	vmul.f32 v11, v12;
	_ =	sdelay $0x1  }
0xf8: {  	vm1 =	vlt.f32 v9, v8;
	s7 =	sadd.s32 s12, s25;
	v10 =	vmul.f32 v11, v10  }
0xf9: {  	v9 =	vsel vm1, v9, v8;
	s0 =	sadd.s32 s0, s7;
	s7 =	sadd.s32 $0xFFFFFFF0, s29  }
0xfa: {  	[tilespmem:s0+$0x0] =	vst v10;
	vm0 =	vlt.f32 v10, v9;
	s0 =	sand.u32 $0x80, s7;
	s7 =	sand.u32 $0x60, s7  }
0xfb: {  	v8 =	vld [tilespmem:s24+$0x0];
	s9 =	sor.u32 s7, s0;
	s0 =	sadd.s32 s0, s25  }
0xfc: {  	v11 =	vld [tilespmem:s9+$0x800];
	s0 =	sadd.s32 s7, s0;
	_ =	sdelay $0x1  }
0xfd: {  	v12 =	vld [tilespmem:s9+$0x900];
	_ =	sdelay $0x1  }
0xfe: {  	v8 =	vsub.f32 v4, v8  }
0xff: {  	v11 =	vsub.f32 v5, v11;
	_ =	sdelay $0x1  }
0x100: {  	v8 =	vmul.f32 v8, v8;
	v12 =	vsub.f32 v6, v12;
	v11 =	vmul.f32 v11, v11;
	_ =	sdelay $0x1  }
0x101: {  	v8 =	vadd.f32 v11, v8;
	v11 =	vmul.f32 v12, v12;
	_ =	sdelay $0x1  }
0x102: {  	v8 =	vadd.f32 v11, v8;
	_ =	sdelay $0x1  }
0x103: {  	v11 =	vmul.f32 $5.000000000e-01, v8;
	v12 =	vshrl.u32 v8, $0x1  }
0x104: {  	v12 =	vsub.s32 $0x5F3759DF, v12  }
0x105: {  	v13 =	vmul.f32 v12, v11;
	_ =	sdelay $0x1  }
0x106: {  	v13 =	vmul.f32 v12, v13;
	_ =	sdelay $0x1  }
0x107: {  	v13 =	vsub.f32 $1.500000000e+00, v13;
	_ =	sdelay $0x1  }
0x108: {  	v12 =	vmul.f32 v12, v13;
	_ =	sdelay $0x1  }
0x109: {  	v13 =	vmul.f32 v12, v11;
	_ =	sdelay $0x1  }
0x10a: {  	v13 =	vmul.f32 v13, v12;
	_ =	sdelay $0x1  }
0x10b: {  	v13 =	vsub.f32 $1.500000000e+00, v13;
	_ =	sdelay $0x1  }
0x10c: {  	v12 =	vmul.f32 v13, v12;
	_ =	sdelay $0x1  }
0x10d: {  	v11 =	vmul.f32 v12, v11;
	_ =	sdelay $0x1  }
0x10e: {  	v11 =	vmul.f32 v11, v12;
	_ =	sdelay $0x1  }
0x10f: {  	v11 =	vsub.f32 $1.500000000e+00, v11;
	_ =	sdelay $0x1  }
0x110: {  	v11 =	vmul.f32 v11, v12;
	_ =	sdelay $0x1  }
0x111: {  	v8 =	vmul.f32 v11, v8  }
0x112: {  	v9 =	vsel vm0, v10, v9  }
0x113: {  	s7 =	sand.u32 $0x80, s29;
	[tilespmem:s0+$0x0] =	vst v8;
	vm2 =	vlt.f32 v8, v9;
	s0 =	sand.u32 $0x70, s29  }
.Ltmp2:
0x114: {  	s12 =	sadd.s32 s7, s25;
	v10 =	vld [tilespmem:s24+$0x10];
	s9 =	sor.u32 s0, s7;
	(pc) =	sbr.rel @p1 .LBB2_3-.Ltmp2, $3  }
0x115: {  	v12 =	vld [tilespmem:s9+$0x800]  }
0x116: {  	v11 =	vld [tilespmem:s9+$0x900];
	_ =	sdelay $0x1  }
0x117: {  	s20 =	sadd.s32 $0x1, s28;
	v7 =	vsel vm1, s28, v7;
	s7 =	sadd.s32 $0x2, s28  }
0x118: {  	_ = 	snop  }
0x119: {  	v4 =	vsub.f32 v4, v10;
	v5 =	vsub.f32 v5, v12;
	_ =	sdelay $0x1  }
0x11a: {  	v6 =	vsub.f32 v6, v11;
	v4 =	vmul.f32 v4, v4;
	v5 =	vmul.f32 v5, v5;
	_ =	sdelay $0x1  }
0x11b: {  	v6 =	vmul.f32 v6, v6;
	v4 =	vadd.f32 v5, v4;
	_ =	sdelay $0x1  }
0x11c: {  	v4 =	vadd.f32 v6, v4;
	_ =	sdelay $0x1  }
0x11d: {  	v5 =	vmul.f32 $5.000000000e-01, v4;
	v6 =	vshrl.u32 v4, $0x1  }
0x11e: {  	v6 =	vsub.s32 $0x5F3759DF, v6  }
0x11f: {  	v61 =	vmul.f32 v6, v5;
	_ =	sdelay $0x1  }
0x120: {  	v10 =	vmul.f32 v6, v61;
	_ =	sdelay $0x1  }
0x121: {  	v10 =	vsub.f32 $1.500000000e+00, v10;
	_ =	sdelay $0x1  }
0x122: {  	v6 =	vmul.f32 v6, v10;
	_ =	sdelay $0x1  }
0x123: {  	v10 =	vmul.f32 v6, v5;
	_ =	sdelay $0x1  }
0x124: {  	v10 =	vmul.f32 v10, v6;
	_ =	sdelay $0x1  }
0x125: {  	v10 =	vsub.f32 $1.500000000e+00, v10;
	_ =	sdelay $0x1  }
0x126: {  	v6 =	vmul.f32 v10, v6;
	_ =	sdelay $0x1  }
0x127: {  	v5 =	vmul.f32 v6, v5;
	_ =	sdelay $0x1  }
0x128: {  	v5 =	vmul.f32 v5, v6;
	_ =	sdelay $0x1  }
0x129: {  	v5 =	vsub.f32 $1.500000000e+00, v5;
	_ =	sdelay $0x1  }
0x12a: {  	v5 =	vmul.f32 v5, v6;
	_ =	sdelay $0x1  }
0x12b: {  	v4 =	vmul.f32 v5, v4  }
0x12c: {  	v5 =	vsel vm2, v8, v9  }
0x12d: {  	vm1 =	vlt.f32 v4, v5  }
0x12e: {  	v5 =	vsel vm1, v4, v5  }
0x12f: {  	(xrf0) =	vmin.scan.msk.f32 $0xffff, v5;
	_ =	sdelay $0x4  }
0x130: {  	v62 =	vsel vm0, s20, v7  }
0x131: {  	s28 =	sadd.s32 $0x3, s28;
	v6 =	vsel vm2, s7, v62;
	v63, _, _ =	vpop (xrf0)  }
0x132: {  	v6 =	vsel vm1, s28, v6;
	v7 =	vbroadcast v63, $0xF  }
0x133: {  	v6 =	vshll.u32 v6, $0x4  }
0x134: {  	vm15 =	veq.f32 v5, v7;
	v5 =	vxor.u32 v1, v6  }
0x135: {  	v5 =	vnsel vm15, $0xC0000000, v5  }
0x136: {  	(xrf0) =	vmin.scan.msk.u32 $0xffff, v5;
	_ =	sdelay $0x5  }
0x137: {  	v5, _, _ =	vpop (xrf0)  }
0x138: {  	(v2sf) =	vpush v5, $0xF;
	_ =	sdelay $0xb  }
0x139: {  	v5 =	vmov s22;
	s22 =	sadd.s32 $0x1, s22  }
0x13a: {  	p1 =	sne.s32 s22, $0x10  }
.Ltmp3:
0x13b: {  	_ = 	snop;
	(pc) =	sbr.rel @p1 .LBB2_2-.Ltmp3, $4  }
0x13c: {  	s0 =	sadd.s32 s0, s12;
	s29 =	spop (v2sf)  }
0x13d: {  	[tilespmem:s0+$0x0] =	vst v4;
	s31 =	sxor.u32 $0x80000000, s29  }
0x13e: {  	[tilespmem:v5+s2+$0x0] =	vst.idx.msk $0x1, v7;
	v4 =	vmov s31  }
0x13f: {  	[tilespmem:v5+s3+$0x0] =	vst.idx.msk $0x1, v4  }
0x140: {  	s0 =	rddreg [dreg:$0x6];
	s7 =	simm.s32 $0xA00  }
0x141: {  	[spmem:s0] =	stream.linear.scatter [tilespmem:s7], [sflag:$0x2], $0x1000, $0x38;
	[tilespmem:$0x12EA0] =	vst v63  }
0x142: {  	_ =	swait.ge [sflag:s14], $0x1000  }
0x143: {  	[sflag:s14] =	ssyncset.done $0x0  }
0x144: {  	[sflag:s14] =	ssyncadd.s32 $0xFFFFF000  }
0x145: {  	[spmem:s10] =	stream.linear.scatter [tilespmem:s2], [sflag:$0x2], $0x10, $0x38;
	[tilespmem:$0x12EA0] =	vst v63  }
0x146: {  	_ =	swait.ge [sflag:s14], $0x10  }
0x147: {  	[sflag:s14] =	ssyncset.done $0x0  }
0x148: {  	[sflag:s14] =	ssyncadd.s32 $0xFFFFFFF0  }
0x149: {  	[spmem:s11] =	stream.linear.scatter [tilespmem:s3], [sflag:$0x2], $0x10, $0x38;
	[tilespmem:$0x12EA0] =	vst v63  }
.Ltmp4:
0x14a: {  	_ =	swait.ge [sflag:s14], $0x10;
	(pc) =	sbr.rel @p0 .LBB2_15-.Ltmp4, $3  }
0x14b: {  	[sflag:s14] =	ssyncset.done $0x0  }
0x14c: {  	[sflag:s14] =	ssyncadd.s32 $0xFFFFFFF0  }
0x14d: {  	[bflag:$0x0] =	sbarrier.arrive $0xFFFF;
	_ =	sdelay $0x1  }
0x14e: {  	s0 =	rddreg [dreg:$0x1];
	s7 =	simm.s32 $0x1B00  }
0x14f: {  	[tilespmem:s7], [sflag:$0x1] =	stream.linear.gather [spmem:s0], $0x10000, $0x38;
	[tilespmem:$0x12EA0] =	vst v63  }
0x150: {  	s24 =	simm.s32 $0x11B00;
	s25 =	rddreg [dreg:$0x2]  }
0x151: {  	[tilespmem:s24], [sflag:$0x2] =	stream.linear.gather [spmem:s25], $0x100, $0x38;
	[tilespmem:$0x12EA0] =	vst v63  }
0x152: {  	_ =	swait.ge [sflag:s14], $0x100  }
0x153: {  	[sflag:s14] =	ssyncset.done $0x0  }
0x154: {  	[sflag:s14] =	ssyncadd.s32 $0xFFFFFF00  }
0x155: {  	s28 =	rddreg [dreg:$0x3]  }
0x156: {  	[tilespmem:s17], [sflag:$0x2] =	stream.linear.gather [spmem:s28], $0x100, $0x38;
	[tilespmem:$0x12EA0] =	vst v63  }
0x157: {  	_ =	swait.ge [sflag:s14], $0x100  }
0x158: {  	[sflag:s14] =	ssyncset.done $0x0  }
0x159: {  	s29 =	simm.s32 $0x11D00;
	[sflag:s14] =	ssyncadd.s32 $0xFFFFFF00  }
0x15a: {  	[tilespmem:s29+$0x0] =	vst v2  }
0x15b: {  	v5 =	vld [tilespmem:s24+$0x0];
	_ =	sdelay $0x3  }
0x15c: {  	s31 =	simm.s32 $0x11D10  }
0x15d: {  	s12 =	simm.s32 $0x11B10;
	[tilespmem:s31+$0x0] =	vst v2;
	(xrf0) =	vmin.scan.msk.f32 $0xffff, v5  }
0x15e: {  	v5 =	vld [tilespmem:s12+$0x0];
	_ =	sdelay $0x1  }
0x15f: {  	s20 =	simm.s32 $0x2  }
0x160: {  	v4 =	vimm.f32 $3.000000010e+38;
	s22 =	simm.s32 $0x11D20;
	s7 =	simm.s32 $0x0;
	s0 =	simm.s32 $0x1  }
.LBB2_7:
0x161: {  	p1 =	sne.s32 s20, $0xF  }
0x162: {  	[tilespmem:s22+$0x0] =	vst v2;
	s12 =	sadd.s32 $0x10, s12;
	(xrf0) =	vmin.scan.msk.f32 $0xffff, v5;
	v6, _, _ =	vpop (xrf0);
	s9 =	smov.u32 s20;
	s20 =	sadd.s32 $0x1, s20  }
.Ltmp5:
0x163: {  	v7 =	vmov s7;
	s7 =	smov.u32 s0;
	v5 =	vld [tilespmem:s12+$0x0];
	v6 =	vbroadcast v6, $0xF;
	s0 =	smov.u32 s9;
	(pc) =	sbr.rel @p1 .LBB2_7-.Ltmp5, $3  }
0x164: {  	vm0 =	veq.s32 v7, v0  }
0x165: {  	v4 =	vsel vm0, v6, v4;
	_ =	sdelay $0x1  }
0x166: {  	s22 =	sadd.s32 $0x10, s22  }
0x167: {  	(xrf0) =	vmin.scan.msk.f32 $0xffff, v5;
	_ =	sdelay $0x4  }
.Ltmp6:
0x168: {  	v5, _, _ =	vpop (xrf0);
	(pc) =	sbr.rel .LBB2_9-.Ltmp6, $4  }
0x169: {  	v6 =	vmov s7;
	v5 =	vbroadcast v5, $0xF;
	v7, _, _ =	vpop (xrf0)  }
0x16a: {  	vm0 =	veq.s32 v6, v0;
	v6 =	vmov s0;
	v7 =	vbroadcast v7, $0xF;
	_ =	swait.ge [sflag:s1], $0x10000  }
0x16b: {  	vm15 =	veq.s32 v6, v0;
	v4 =	vsel vm0, v5, v4;
	[sflag:s1] =	ssyncset.done $0x0  }
0x16c: {  	s24 =	simm.s32 $0x0;
	s22 =	simm.f32 $0.0e+00;
	v4 =	vsel vm15, v7, v4;
	[sflag:s1] =	ssyncadd.s32 $0xFFFF0000  }
.LBB2_17:
0x16d: {  	(v2sf) =	vpush v9, $0xF;
	_ =	sdelay $0x3  }
0x16e: {  	v8 =	vbroadcast v8, $0x0;
	_ =	sdelay $0x1  }
0x16f: {  	vm0 =	veq.s32 v8, v0  }
0x170: {  	v7 =	vsel vm0, $0x7F61B1E6, v7  }
0x171: {  	(xrf0) =	vmin.scan.msk.f32 $0xffff, v7;
	_ =	sdelay $0x5  }
0x172: {  	v5 =	vbroadcast v5, $0x0;
	v7, _, _ =	vpop (xrf0)  }
0x173: {  	v7 =	vbroadcast v7, $0xF;
	s0 =	spop (v2sf)  }
0x174: {  	[tilespmem:v6+s19+$0x0] =	vst.idx.msk $0x1, v3;
	vm15 =	veq.s32 v5, v0;
	s22 =	sadd.f32 s0, s22  }
0x175: {  	s24 =	sadd.s32 $0x1, s24;
	[tilespmem:v10+s18+$0x0] =	vst.idx.msk $0x1, v3;
	v4 =	vsel vm15, v7, v4  }
.LBB2_13:
0x176: {  	p1 =	slt.s32 s24, $0x100  }
.Ltmp7:
0x177: {  	_ = 	snop;
	(pc) =	sbr.rel @!p1 .LBB2_14-.Ltmp7, $1  }
0x178: {  	_ =	sdelay $0x3  }
.LBB2_9:
0x179: {  	(xrf0) =	vmin.scan.msk.f32 $0xffff, v4;
	_ =	sdelay $0x5  }
0x17a: {  	v9, _, _ =	vpop (xrf0)  }
0x17b: {  	v6 =	vbroadcast v9, $0xF;
	_ =	sdelay $0x1  }
0x17c: {  	vm0 =	veq.f32 v4, v6  }
0x17d: {  	v5 =	vmctz.xlane vm0;
	_ =	sdelay $0x1  }
0x17e: {  	(v2sf) =	vpush v5, $0x0;
	_ =	sdelay $0xe  }
0x17f: {  	s0 =	spop (v2sf)  }
0x180: {  	s0 =	sshll.u32 s0, $0x4  }
0x181: {  	v7 =	vld [tilespmem:s0+$0x11B00];
	_ =	sdelay $0x4  }
0x182: {  	vm15 =	veq.f32 v7, v6  }
0x183: {  	v8 =	vmctz.xlane vm15;
	_ =	sdelay $0x1  }
0x184: {  	(v2sf) =	vpush v8, $0x0;
	_ =	sdelay $0xe  }
0x185: {  	s7 =	spop (v2sf)  }
0x186: {  	s0 =	sadd.s32 s0, s7  }
0x187: {  	v6 =	vmov s0;
	_ =	sdelay $0x4  }
0x188: {  	v10 =	vld.idx.msk [tilespmem:v6+s17+$0x0], $0xffff;
	_ =	sdelay $0x7  }
0x189: {  	v11 =	vld.idx.msk [tilespmem:v10+s18+$0x0], $0xffff;
	_ =	sdelay $0x4  }
0x18a: {  	(v2sf) =	vpush v11, $0x0;
	_ =	sdelay $0xe  }
0x18b: {  	s31 =	spop (v2sf)  }
0x18c: {  	p1 =	seq.f32 s31, $0.0e+00  }
.Ltmp8:
0x18d: {  	_ = 	snop;
	(pc) =	sbr.rel @p1 .LBB2_17-.Ltmp8, $1  }
0x18e: {  	_ =	sdelay $0x3  }
0x18f: {  	s0 =	sshll.u32 s0, $0xA  }
0x190: {  	s9 =	simm.s32 $0x0;
	s0 =	sshra.s32 s0, $0x2  }
0x191: {  	s20 =	simm.s32 $0x10;
	s12 =	sand.u32 $0x80, s9;
	s28 =	sadd.s32 $0x1B00, s0  }
0x192: {  	s9 =	sand.u32 $0x40, s9;
	s0 =	simm.s32 $0x11D20;
	s12 =	sadd.s32 s12, s28  }
0x193: {  	s23 =	sand.u32 $0x80, s20;
	v15 =	vld [tilespmem:s0+$0xFFFFFFE0];
	s9 =	sadd.s32 s9, s12  }
0x194: {  	s20 =	sand.u32 $0x50, s20;
	s12 =	sadd.s32 s23, s28;
	s23 =	simm.s32 $0x20;
	v17 =	vld [tilespmem:s9+$0x0]  }
0x195: {  	v13 =	vld [tilespmem:s0+$0xFFFFFFF0];
	s9 =	sadd.s32 s20, s12;
	s12 =	sand.u32 $0x80, s23  }
0x196: {  	s7 =	simm.s32 $0x30;
	s23 =	sand.u32 $0x60, s23;
	v16 =	vld [tilespmem:s9+$0x0];
	s12 =	sadd.s32 s12, s28  }
0x197: {  	v12 =	vld [tilespmem:s0+$0x0];
	s20 =	sand.u32 $0x80, s7;
	s9 =	sadd.s32 s23, s12  }
0x198: {  	s7 =	sand.u32 $0x70, s7;
	s23 =	sadd.s32 s20, s28;
	v14 =	vld [tilespmem:s9+$0x0]  }
0x199: {  	s25 =	simm.s32 $0x0;
	s29 =	simm.s32 $0x4;
	v11 =	vld [tilespmem:s0+$0x10];
	s9 =	sadd.s32 s7, s23;
	v17 =	vadd.f32 v15, v17  }
0x19a: {  	v10 =	vimm.f32 $3.000000010e+38;
	v9 =	vimm.s32 $0x0;
	s31 =	simm.s32 $0x70;
	s12 =	simm.s32 $0x8;
	s7 =	simm.s32 $0x40;
	v15 =	vld [tilespmem:s9+$0x0]  }
.LBB2_11:
0x19b: {  	p1 =	slt.u32 s12, $0xC;
	s9 =	sand.u32 $0x80, s7;
	vm0 =	vlt.f32 v17, v10;
	v13 =	vadd.f32 v13, v16;
	s0 =	sadd.s32 $0x40, s0  }
0x19c: {  	s7 =	sand.u32 $0x40, s7;
	s20 =	sadd.s32 $0xFFFFFFE0, s31;
	s9 =	sadd.s32 s9, s28;
	v10 =	vsel vm0, v17, v10;
	v9 =	vsel vm0, s25, v9  }
0x19d: {  	s23 =	sadd.s32 $0x1, s25;
	s7 =	sadd.s32 s7, s9;
	v17 =	vld [tilespmem:s0+$0xFFFFFFE0];
	s9 =	sand.u32 $0x80, s20;
	vm0 =	vlt.f32 v13, v10;
	v12 =	vadd.f32 v12, v14  }
0x19e: {  	v18 =	vld [tilespmem:s7+$0x0];
	s7 =	sand.u32 $0x50, s20;
	s9 =	sadd.s32 s9, s28;
	s20 =	sadd.s32 $0xFFFFFFF0, s31;
	v10 =	vsel vm0, v13, v10;
	v9 =	vsel vm0, s23, v9  }
0x19f: {  	s23 =	sadd.s32 $0x2, s25;
	s7 =	sadd.s32 s7, s9;
	v13 =	vld [tilespmem:s0+$0xFFFFFFF0];
	s9 =	sand.u32 $0x80, s20;
	vm0 =	vlt.f32 v12, v10;
	v11 =	vadd.f32 v11, v15  }
.Ltmp9:
0x1a0: {  	v16 =	vld [tilespmem:s7+$0x0];
	s7 =	sand.u32 $0x60, s20;
	s9 =	sadd.s32 s9, s28;
	v10 =	vsel vm0, v12, v10;
	v9 =	vsel vm0, s23, v9;
	(pc) =	sbr.rel @p1 .LBB2_11-.Ltmp9, $4  }
0x1a1: {  	s20 =	sadd.s32 $0x3, s25;
	s7 =	sadd.s32 s7, s9;
	v12 =	vld [tilespmem:s0+$0x0];
	s9 =	sand.u32 $0x80, s31;
	vm0 =	vlt.f32 v11, v10  }
0x1a2: {  	s25 =	smov.u32 s29;
	v14 =	vld [tilespmem:s7+$0x0];
	s7 =	sand.u32 $0x70, s31;
	s9 =	sadd.s32 s9, s28;
	v10 =	vsel vm0, v11, v10;
	v9 =	vsel vm0, s20, v9  }
0x1a3: {  	s29 =	smov.u32 s12;
	s31 =	sadd.s32 $0x40, s31;
	v17 =	vadd.f32 v17, v18;
	s9 =	sadd.s32 s7, s9;
	v11 =	vld [tilespmem:s0+$0x10]  }
0x1a4: {  	s12 =	sadd.s32 $0x4, s12;
	s7 =	sadd.s32 $0xFFFFFFD0, s31;
	v15 =	vld [tilespmem:s9+$0x0]  }
0x1a5: {  	s9 =	sand.u32 $0x80, s7;
	s0 =	sadd.s32 $0x40, s0  }
0x1a6: {  	s20 =	sand.u32 $0x40, s7;
	s12 =	sadd.s32 $0xFFFFFFE0, s31;
	s9 =	sadd.s32 s9, s28  }
0x1a7: {  	vm0 =	vlt.f32 v17, v10;
	v13 =	vadd.f32 v13, v16;
	v54 =	vld [tilespmem:s0+$0xFFFFFFE0];
	s23 =	sand.u32 $0x80, s12;
	s7 =	sadd.s32 s20, s9  }
0x1a8: {  	v10 =	vsel vm0, v17, v10;
	s12 =	sand.u32 $0x50, s12;
	s9 =	sadd.s32 s23, s28;
	s20 =	sadd.s32 $0xFFFFFFF0, s31;
	v55 =	vld [tilespmem:s7+$0x0]  }
0x1a9: {  	v56 =	vld [tilespmem:s0+$0xFFFFFFF0];
	vm1 =	vlt.f32 v13, v10;
	v12 =	vadd.f32 v12, v14;
	s7 =	sadd.s32 s12, s9;
	s23 =	sand.u32 $0x80, s20  }
0x1aa: {  	v10 =	vsel vm1, v13, v10;
	s20 =	sand.u32 $0x60, s20;
	v57 =	vld [tilespmem:s7+$0x0];
	s9 =	sadd.s32 s23, s28  }
0x1ab: {  	v58 =	vld [tilespmem:s0+$0x0];
	vm2 =	vlt.f32 v12, v10;
	v11 =	vadd.f32 v11, v15;
	s23 =	sand.u32 $0x80, s31;
	s7 =	sadd.s32 s20, s9  }
0x1ac: {  	s31 =	sand.u32 $0x70, s31;
	v10 =	vsel vm2, v12, v10;
	s9 =	sadd.s32 s23, s28;
	v59 =	vld [tilespmem:s7+$0x0]  }
0x1ad: {  	v60 =	vld [tilespmem:s0+$0x10];
	vm3 =	vlt.f32 v11, v10;
	s7 =	sadd.s32 s31, s9;
	v16 =	vadd.f32 v54, v55  }
0x1ae: {  	v10 =	vsel vm3, v11, v10;
	v61 =	vld [tilespmem:s7+$0x0]  }
0x1af: {  	v13 =	vadd.f32 v56, v57;
	vm4 =	vlt.f32 v16, v10  }
0x1b0: {  	v10 =	vsel vm4, v16, v10  }
0x1b1: {  	v12 =	vadd.f32 v58, v59;
	vm5 =	vlt.f32 v13, v10  }
0x1b2: {  	v10 =	vsel vm5, v13, v10  }
0x1b3: {  	v11 =	vadd.f32 v60, v61;
	vm6 =	vlt.f32 v12, v10  }
0x1b4: {  	v10 =	vsel vm6, v12, v10  }
0x1b5: {  	vm7 =	vlt.f32 v11, v10  }
0x1b6: {  	v10 =	vsel vm7, v11, v10  }
0x1b7: {  	v9 =	vsel vm0, s25, v9;
	s12 =	sadd.s32 $0x1, s25;
	(xrf0) =	vmin.scan.msk.f32 $0xffff, v10  }
0x1b8: {  	v9 =	vsel vm1, s12, v9;
	s20 =	sadd.s32 $0x2, s25  }
0x1b9: {  	s23 =	sadd.s32 $0x3, s25;
	v9 =	vsel vm2, s20, v9  }
0x1ba: {  	v9 =	vsel vm3, s23, v9  }
0x1bb: {  	s25 =	sadd.s32 $0x1, s29;
	v9 =	vsel vm4, s29, v9  }
0x1bc: {  	s28 =	sadd.s32 $0x2, s29;
	v9 =	vsel vm5, s25, v9  }
0x1bd: {  	s29 =	sadd.s32 $0x3, s29;
	v9 =	vsel vm6, s28, v9;
	v62, _, _ =	vpop (xrf0)  }
0x1be: {  	v9 =	vsel vm7, s29, v9;
	v11 =	vbroadcast v62, $0xF  }
0x1bf: {  	v9 =	vshll.u32 v9, $0x4  }
0x1c0: {  	v9 =	vxor.u32 v1, v9;
	vm13 =	veq.f32 v10, v11  }
0x1c1: {  	v9 =	vnsel vm13, $0xC0000000, v9  }
0x1c2: {  	(xrf0) =	vmin.scan.msk.u32 $0xffff, v9;
	_ =	sdelay $0x5  }
0x1c3: {  	v9, _, _ =	vpop (xrf0)  }
0x1c4: {  	(v2sf) =	vpush v9, $0xF;
	_ =	sdelay $0x4  }
0x1c5: {  	v8 =	vbroadcast v8, $0x0;
	_ =	sdelay $0x1  }
0x1c6: {  	vm14 =	veq.s32 v8, v0  }
0x1c7: {  	v7 =	vsel vm14, v11, v7  }
0x1c8: {  	(xrf0) =	vmin.scan.msk.f32 $0xffff, v7;
	_ =	sdelay $0x4  }
.Ltmp10:
0x1c9: {  	_ = 	snop;
	(pc) =	sbr.rel .LBB2_13-.Ltmp10, $4  }
0x1ca: {  	v5 =	vbroadcast v5, $0x0;
	v7, _, _ =	vpop (xrf0);
	s31 =	spop (v2sf)  }
0x1cb: {  	v7 =	vbroadcast v7, $0xF;
	s0 =	sxor.u32 $0x80000000, s31  }
0x1cc: {  	vm15 =	veq.s32 v5, v0;
	[tilespmem:v6+s19+$0x0] =	vst.idx.msk $0x1, v11;
	v63 =	vmov s0  }
0x1cd: {  	v4 =	vsel vm15, v7, v4;
	[tilespmem:v6+s17+$0x0] =	vst.idx.msk $0x1, v63  }
.LBB2_16:
0x1ce: {  	_ =	sfence.sel $0x180000  }
0x1cf: {  	[bflag:$0x0] =	sbarrier.arrive $0xFFFF  }
0x1d0: {  	_ =	strace $0x90000047  }
0x1d1: {  	[bflag:$0x2] =	sbarrier.arrive $0xFFFF  }
0x1d2: {  	s0 =	rddreg [dreg:$0x4]  }
0x1d3: {  	s0 =	sadd.s32 @!p0 $0x100000, s0  }
0x1d4: {  	[sflag:s0] =	ssyncadd.tile.s32 @!p0 $0x1;
	_ =	shalt  }
.Lfunc_end2:
_tile_overlayer_lowered:
.L_overlay_start_2:
0x1d5: {  	(tag) =	ssettag $0x2  }
0x1d6: {  	s0 =	rddreg [dreg:$0x0];
	s2 =	stileid.u32  }
0x1d7: {  	s1 =	rddreg [dreg:$0x1];
	p0 =	sne.s32 s2, $0x0  }
0x1d8: {  	s3 =	rddreg [dreg:$0x2];
	[bflag:$0x3] =	sbarrier.arrive $0xFFFF;
	s2 =	simm.s32 @!p0 $0x1C02  }
0x1d9: {  	[timem:s3], [sflag:s2] =	dma.local @!p0 [hbm:s0], s1  }
0x1da: {  	s0 =	simm.s32 @!p0 $0x2  }
0x1db: {  	_ =	swait.ge @!p0 [sflag:s0], s1  }
0x1dc: {  	s1 =	ssub.s32 @!p0 $0x0, s1;
	[sflag:s0] =	ssyncset.done @!p0 $0x0  }
0x1dd: {  	[sflag:s0] =	ssyncadd.s32 @!p0 s1  }
0x1de: {  	[bflag:$0x3] =	sbarrier.arrive $0xFFFF  }
0x1df: {  	_ =	shalt  }

</sc_bundles>
